<compile_context>
chip_gen: v7x
topology: tpu7x:2x2x1
jax: 0.10.2.dev20260603
libtpu: 0.0.44.dev20260713+nightly
codegen_flags: <defaults>
</compile_context>

<pallas_src>
import functools

import jax
import jax.numpy as jnp
from jax import lax
from jax.experimental import pallas as pl
from jax.experimental.pallas import tpu as pltpu
from jax.experimental.pallas import tpu_sc as plsc

N = 10000
E = 160000
DF = 256
DE = 16
DG = 128
NC = 2
NS = 16
NW = NC * NS
CH = 128
NT = E // CH
TPW = 39
NCH = 40
N_PAD = 10112
RPT = N_PAD // NS


def _sc_segment_sum(ei3, ea2):
  mesh = plsc.VectorSubcoreMesh(core_axis_name="c", subcore_axis_name="s")

  @functools.partial(
      pl.kernel,
      out_type=[
          jax.ShapeDtypeStruct((NC, N_PAD, DE), jnp.float32),
          jax.ShapeDtypeStruct((NC, N_PAD, DE), jnp.float32),
      ],
      mesh=mesh,
      compiler_params=pltpu.CompilerParams(
          use_tc_tiling_on_sc=False, needs_layout_passes=False),
      scratch_types=[
          pltpu.VMEM((NCH, CH), jnp.int32),
          pltpu.VMEM((648, 129), jnp.float32),
          pltpu.VMEM((CH, DE), jnp.float32),
          pltpu.VMEM((CH, DE), jnp.float32),
          pltpu.VMEM((RPT, DE), jnp.float32),
          pltpu.VMEM_SHARED((N_PAD, DE), jnp.float32),
          pltpu.VMEM_SHARED((N_PAD, DE), jnp.float32),
          pltpu.SemaphoreType.DMA,
          pltpu.SemaphoreType.DMA,
      ],
  )
  def seg_kernel(ei_hbm, attr_hbm, sums_out, cnt_out,
                 idx_v, vt2, vals_v, ones_v, zeros_v, sums_sh, cnt_sh,
                 sem_s, sem_c):
    c = lax.axis_index("c")
    s = lax.axis_index("s")
    wid = c * NS + s

    one_row = jnp.ones((DE,), jnp.float32)
    zero_row = jnp.zeros((DE,), jnp.float32)

    def fill_ones(i, carry):
      ones_v[i, :] = one_row
      return carry
    lax.fori_loop(0, CH, fill_ones, 0)

    def fill_zeros(i, carry):
      zeros_v[i, :] = zero_row
      return carry
    lax.fori_loop(0, RPT, fill_zeros, 0)

    row0 = pl.multiple_of(s * RPT, RPT)
    pltpu.sync_copy(zeros_v, sums_sh.at[pl.ds(row0, RPT)])
    pltpu.sync_copy(zeros_v, cnt_sh.at[pl.ds(row0, RPT)])

    c0 = TPW * wid + jnp.maximum(wid - 30, 0)
    pltpu.sync_copy(ei_hbm.at[pl.ds(c0, NCH), 1], idx_v)
    r0 = pl.multiple_of(c0 * 8, 8)
    pltpu.sync_copy(attr_hbm.at[pl.ds(r0, NCH * 8)],
                    vt2.at[pl.ds(0, NCH * 8), pl.ds(0, CH)])
    r1 = pl.multiple_of(NT * 8 + c0 * 8, 8)
    pltpu.sync_copy(attr_hbm.at[pl.ds(r1, NCH * 8)],
                    vt2.at[pl.ds(328, NCH * 8), pl.ds(0, CH)])

    plsc.subcore_barrier()

    f_iota = lax.iota(jnp.int32, DE)
    row_base = (f_iota // 8) * 328 + f_iota % 8

    nch = TPW + (wid >= 30).astype(jnp.int32)

    def chunk(j, carry):
      row_j = row_base + j * 8

      def repack(i, carry2):
        iv = jnp.full((DE,), i, jnp.int32)
        vals_v[i, :] = plsc.load_gather(vt2, [row_j, iv])
        return carry2
      lax.fori_loop(0, CH, repack, 0, unroll=8)

      h1 = pltpu.async_copy(vals_v, sums_sh.at[idx_v.at[j]], sem_s, add=True)
      h2 = pltpu.async_copy(ones_v, cnt_sh.at[idx_v.at[j]], sem_c, add=True)
      h1.wait()
      h2.wait()
      return carry
    lax.fori_loop(0, nch, chunk, 0)

    plsc.subcore_barrier()

    pltpu.sync_copy(sums_sh.at[pl.ds(row0, RPT)],
                    sums_out.at[c, pl.ds(row0, RPT)])
    pltpu.sync_copy(cnt_sh.at[pl.ds(row0, RPT)],
                    cnt_out.at[c, pl.ds(row0, RPT)])

  return seg_kernel(ei3, ea2)


_BCE = 2048


_BN = 512


def _tc_body(sums_ref, cnt_ref, x_ref, w_ref, we8_ref, g_ref, b_ref, o_ref):
  s = sums_ref[0] + sums_ref[1]
  cnt = cnt_ref[0] + cnt_ref[1]
  aggf = s / jnp.maximum(cnt, 1.0)
  rep = (lax.broadcasted_iota(jnp.int32, (_BN, _BN * DE // CH), 0) // 8 ==
         lax.broadcasted_iota(jnp.int32, (_BN, _BN * DE // CH), 1))
  a1 = jnp.dot(rep.astype(jnp.float32), aggf,
               preferred_element_type=jnp.float32)
  msk = (lax.broadcasted_iota(jnp.int32, (_BN, CH), 1) // DE ==
         lax.broadcasted_iota(jnp.int32, (_BN, CH), 0) % 8)
  a1 = a1 * msk.astype(jnp.float32)
  w_x = w_ref[DE:DE + DF, :]
  w_g = w_ref[DE + DF:, :]
  acc = jnp.dot(x_ref[...], w_x, preferred_element_type=jnp.float32)
  acc += jnp.dot(a1, we8_ref[...], preferred_element_type=jnp.float32)
  acc += jnp.dot(g_ref[...], w_g, preferred_element_type=jnp.float32)
  o_ref[...] = acc + b_ref[...]


def kernel(x, edge_index, edge_attr, global_attr, W, b):
  ei3 = edge_index.T.reshape(NT, CH, 2).transpose(0, 2, 1)
  ea2 = edge_attr.T.reshape(2, 8, NT, CH).transpose(0, 2, 1, 3)
  ea2 = ea2.reshape(2 * NT * 8, CH)
  sums, cnt = _sc_segment_sum(ei3, ea2)

  sums2 = sums.reshape(NC, N_PAD * DE // CH, CH)
  cnt2 = cnt.reshape(NC, N_PAD * DE // CH, CH)

  g2 = global_attr.reshape(1, DG)
  b2 = b.reshape(1, DF)
  w_e8 = jnp.tile(W[0:DE], (8, 1))

  grid = (N + _BN - 1) // _BN
  brows = _BN * DE // CH
  out = pl.pallas_call(
      _tc_body,
      grid=(grid,),
      in_specs=[
          pl.BlockSpec((NC, brows, CH), lambda i: (0, i, 0)),
          pl.BlockSpec((NC, brows, CH), lambda i: (0, i, 0)),
          pl.BlockSpec((_BN, DF), lambda i: (i, 0)),
          pl.BlockSpec((DE + DF + DG, DF), lambda i: (0, 0)),
          pl.BlockSpec((CH, DF), lambda i: (0, 0)),
          pl.BlockSpec((1, DG), lambda i: (0, 0)),
          pl.BlockSpec((1, DF), lambda i: (0, 0)),
      ],
      out_specs=pl.BlockSpec((_BN, DF), lambda i: (i, 0)),
      out_shape=jax.ShapeDtypeStruct((N, DF), jnp.float32),
  )(sums2, cnt2, x, W, w_e8, g2, b2)
  return out

# --- scband reference (transcript-rebuilt; emitter-appended) ---
"""Pipeline reference for scband-node-block-74294344286330 (READ-ONLY COPY).

The authoritative reference and input builder live on the scoring server;
editing this copy changes nothing except your own understanding.
"""

import jax, jax.numpy as jnp
import numpy as np

N_NODES = 10000
N_EDGES = 160000
D_FEAT = 256
D_EDGE = 16
D_GLOB = 128
D_IN = D_EDGE + D_FEAT + D_GLOB  # 400


def setup_inputs(seed: int = 0) -> dict:
    key = jax.random.key(seed)
    ks = jax.random.split(key, 6)
    x = jax.random.normal(ks[0], (N_NODES, D_FEAT), dtype=jnp.float32)
    edge_index = jax.random.randint(ks[1], (2, N_EDGES), 0, N_NODES, dtype=jnp.int32)
    edge_attr = jax.random.normal(ks[2], (N_EDGES, D_EDGE), dtype=jnp.float32)
    global_attr = jax.random.normal(ks[3], (D_GLOB,), dtype=jnp.float32)
    # learned params of the updater MLP (single Linear: [d_edge + d_feat + d_glob] -> d_feat)
    W = jax.random.normal(ks[4], (D_IN, D_FEAT), dtype=jnp.float32) * 0.02
    b = jnp.zeros((D_FEAT,), dtype=jnp.float32)
    return {"x": x, "edge_index": edge_index, "edge_attr": edge_attr,
            "global_attr": global_attr, "W": W, "b": b}


def reference(x, edge_index, edge_attr, global_attr, W, b):
    # NodeBlock.forward, vectorized:
    # for each node: mean over incoming edge attrs, concat [agg, node, global], apply updater
    dst = edge_index[1]
    sums = jax.ops.segment_sum(edge_attr, dst, num_segments=N_NODES)
    counts = jax.ops.segment_sum(jnp.ones((edge_attr.shape[0], 1), dtype=edge_attr.dtype),
                                 dst, num_segments=N_NODES)
    agg = sums / jnp.maximum(counts, 1.0)  # MeanAggregator over incoming edges
    g_bcast = jnp.broadcast_to(global_attr[None, :], (x.shape[0], global_attr.shape[0]))
    upd_input = jnp.concatenate([agg, x, g_bcast], axis=1)  # [N, 400]
    updated = upd_input @ W + b  # updater applied per node
    return updated

if __name__ == "__main__":
    import jax
    _d = setup_inputs()
    print(jax.jit(kernel)(*tuple(_d.values())))

</pallas_src>

<mosaic_0001>
#map = affine_map<(d0, d1) -> (0, 0, 0)>
#map1 = affine_map<(d0, d1) -> (0, 0)>
module attributes {stable_mosaic.version = 14 : i64} {
  func.func @seg_kernel(%arg0: i32, %arg1: i32, %arg2: memref<1250x2x128xi32, #tpu.memory_space<hbm>>, %arg3: memref<20000x128xf32, #tpu.memory_space<hbm>>, %arg4: memref<2x10112x16xf32, #tpu.memory_space<hbm>>, %arg5: memref<2x10112x16xf32, #tpu.memory_space<hbm>>, %arg6: memref<40x128xi32, #tpu.memory_space<vmem>>, %arg7: memref<648x129xf32, #tpu.memory_space<vmem>>, %arg8: memref<128x16xf32, #tpu.memory_space<vmem>>, %arg9: memref<128x16xf32, #tpu.memory_space<vmem>>, %arg10: memref<632x16xf32, #tpu.memory_space<vmem>>, %arg11: memref<10112x16xf32, #tpu.memory_space<vmem_shared>>, %arg12: memref<10112x16xf32, #tpu.memory_space<vmem_shared>>, %arg13: memref<!tpu.dma_semaphore, #tpu.memory_space<semaphore_mem>>, %arg14: memref<!tpu.dma_semaphore, #tpu.memory_space<semaphore_mem>>) attributes {dimension_semantics = [#tpu.dimension_semantics<core_parallel>, #tpu.dimension_semantics<subcore_parallel>], iteration_bounds = array<i64: 2, 16>, scalar_prefetch = 0 : i64, scratch_operands = 9 : i64, tpu.core_type = #tpu.core_type<sc_vector_subcore>, window_params = [{transform_indices = #map}, {transform_indices = #map1}, {transform_indices = #map}, {transform_indices = #map}]} {
    %mul3A = arith.constant 16 : i32
    %mul3A_0 = arith.muli %arg0, %mul3A : i32
    %add3A = arith.addi %mul3A_0, %arg1 : i32
    %broadcast_in_dim3A = arith.constant 1.000000e+00 : f32
    %broadcast_in_dim3A_1 = vector.broadcast %broadcast_in_dim3A : f32 to vector<16xf32>
    %broadcast_in_dim3A_2 = arith.constant 0.000000e+00 : f32
    %broadcast_in_dim3A_3 = vector.broadcast %broadcast_in_dim3A_2 : f32 to vector<16xf32>
    %scan3A = arith.constant 0 : i32
    %scan3A_4 = arith.constant 0 : i32
    %scan3A_5 = arith.constant 128 : i32
    %scan3A_6 = arith.addi %scan3A_4, %scan3A_5 : i32
    %scan3A_7 = arith.constant 1 : i32
    scf.for %scan3A_91 = %scan3A_4 to %scan3A_6 step %scan3A_7  : i32 {
      %swap3A = arith.index_cast %scan3A_91 : i32 to index
      %swap3A_92 = arith.constant 0 : index
      %swap3A_93 = tpu.vector_load %arg9[%swap3A, %swap3A_92] {strides = array<i32>} : memref<128x16xf32, #tpu.memory_space<vmem>>, vector<16xf32>,
      tpu.vector_store %arg9[%swap3A, %swap3A_92], %broadcast_in_dim3A_1 {strides = array<i32>} : memref<128x16xf32, #tpu.memory_space<vmem>>, vector<16xf32>,
    }
    %scan3A_8 = arith.constant 128 : i32
    %scan3A_9 = arith.constant 0 : i32
    %scan3A_10 = arith.constant 0 : i32
    %scan3A_11 = arith.constant 632 : i32
    %scan3A_12 = arith.addi %scan3A_10, %scan3A_11 : i32
    %scan3A_13 = arith.constant 1 : i32
    scf.for %scan3A_91 = %scan3A_10 to %scan3A_12 step %scan3A_13  : i32 {
      %swap3A = arith.index_cast %scan3A_91 : i32 to index
      %swap3A_92 = arith.constant 0 : index
      %swap3A_93 = tpu.vector_load %arg10[%swap3A, %swap3A_92] {strides = array<i32>} : memref<632x16xf32, #tpu.memory_space<vmem>>, vector<16xf32>,
      tpu.vector_store %arg10[%swap3A, %swap3A_92], %broadcast_in_dim3A_3 {strides = array<i32>} : memref<632x16xf32, #tpu.memory_space<vmem>>, vector<16xf32>,
    }
    %scan3A_14 = arith.constant 632 : i32
    %mul3A_15 = arith.constant 632 : i32
    %mul3A_16 = arith.muli %arg1, %mul3A_15 : i32
    %multiple_of3A = tpu.assume_multiple %mul3A_16, 632 : i32
    "tpu.region"() ({
      %run_scoped3A_91 = tpu.sem_alloc : memref<!tpu.dma_semaphore, #tpu.memory_space<semaphore_mem>>
      %dma_start3A = arith.constant 0 : i32
      %dma_start3A_92 = tpu.memref_slice %arg11[%multiple_of3A, %dma_start3A] : memref<10112x16xf32, #tpu.memory_space<vmem_shared>> -> memref<632x16xf32, #tpu.memory_space<vmem_shared>>
      %dma_start3A_93 = arith.constant 0 : i32
      %dma_start3A_94 = tpu.memref_slice %arg11[%multiple_of3A, %dma_start3A_93] : memref<10112x16xf32, #tpu.memory_space<vmem_shared>> -> memref<632x16xf32, #tpu.memory_space<vmem_shared>>
      tpu.enqueue_dma source(%arg10 : memref<632x16xf32, #tpu.memory_space<vmem>>) target(%dma_start3A_94 : memref<632x16xf32, #tpu.memory_space<vmem_shared>>) target_semaphore(%run_scoped3A_91 : memref<!tpu.dma_semaphore, #tpu.memory_space<semaphore_mem>>)
      %dma_wait3A = arith.constant 0 : i32
      %dma_wait3A_95 = tpu.memref_slice %arg11[%multiple_of3A, %dma_wait3A] : memref<10112x16xf32, #tpu.memory_space<vmem_shared>> -> memref<632x16xf32, #tpu.memory_space<vmem_shared>>
      %dma_wait3A_96 = arith.constant 0 : i32
      %dma_wait3A_97 = tpu.memref_slice %arg11[%multiple_of3A, %dma_wait3A_96] : memref<10112x16xf32, #tpu.memory_space<vmem_shared>> -> memref<632x16xf32, #tpu.memory_space<vmem_shared>>
      tpu.wait_dma2 semaphore(%run_scoped3A_91 : memref<!tpu.dma_semaphore, #tpu.memory_space<semaphore_mem>>) src(%arg10 : memref<632x16xf32, #tpu.memory_space<vmem>>) dst(%dma_wait3A_97 : memref<632x16xf32, #tpu.memory_space<vmem_shared>>)
      tpu.yield
    }) : () -> ()
    "tpu.region"() ({
      %run_scoped3A_91 = tpu.sem_alloc : memref<!tpu.dma_semaphore, #tpu.memory_space<semaphore_mem>>
      %dma_start3A = arith.constant 0 : i32
      %dma_start3A_92 = tpu.memref_slice %arg12[%multiple_of3A, %dma_start3A] : memref<10112x16xf32, #tpu.memory_space<vmem_shared>> -> memref<632x16xf32, #tpu.memory_space<vmem_shared>>
      %dma_start3A_93 = arith.constant 0 : i32
      %dma_start3A_94 = tpu.memref_slice %arg12[%multiple_of3A, %dma_start3A_93] : memref<10112x16xf32, #tpu.memory_space<vmem_shared>> -> memref<632x16xf32, #tpu.memory_space<vmem_shared>>
      tpu.enqueue_dma source(%arg10 : memref<632x16xf32, #tpu.memory_space<vmem>>) target(%dma_start3A_94 : memref<632x16xf32, #tpu.memory_space<vmem_shared>>) target_semaphore(%run_scoped3A_91 : memref<!tpu.dma_semaphore, #tpu.memory_space<semaphore_mem>>)
      %dma_wait3A = arith.constant 0 : i32
      %dma_wait3A_95 = tpu.memref_slice %arg12[%multiple_of3A, %dma_wait3A] : memref<10112x16xf32, #tpu.memory_space<vmem_shared>> -> memref<632x16xf32, #tpu.memory_space<vmem_shared>>
      %dma_wait3A_96 = arith.constant 0 : i32
      %dma_wait3A_97 = tpu.memref_slice %arg12[%multiple_of3A, %dma_wait3A_96] : memref<10112x16xf32, #tpu.memory_space<vmem_shared>> -> memref<632x16xf32, #tpu.memory_space<vmem_shared>>
      tpu.wait_dma2 semaphore(%run_scoped3A_91 : memref<!tpu.dma_semaphore, #tpu.memory_space<semaphore_mem>>) src(%arg10 : memref<632x16xf32, #tpu.memory_space<vmem>>) dst(%dma_wait3A_97 : memref<632x16xf32, #tpu.memory_space<vmem_shared>>)
      tpu.yield
    }) : () -> ()
    %mul3A_17 = arith.constant 39 : i32
    %mul3A_18 = arith.muli %mul3A_17, %add3A : i32
    %sub3A = arith.constant 30 : i32
    %sub3A_19 = arith.subi %add3A, %sub3A : i32
    %max3A = arith.constant 0 : i32
    %max3A_20 = arith.maxsi %sub3A_19, %max3A : i32
    %add3A_21 = arith.addi %mul3A_18, %max3A_20 : i32
    %run_scoped3A = arith.constant 1 : i32
    "tpu.region"() ({
      %run_scoped3A_91 = tpu.sem_alloc : memref<!tpu.dma_semaphore, #tpu.memory_space<semaphore_mem>>
      %dma_start3A = arith.constant 0 : i32
      %dma_start3A_92 = tpu.memref_slice %arg2[%add3A_21, %run_scoped3A, %dma_start3A] : memref<1250x2x128xi32, #tpu.memory_space<hbm>> -> memref<40x1x128xi32, #tpu.memory_space<hbm>>
      %dma_start3A_93 = tpu.memref_squeeze %dma_start3A_92 : memref<40x1x128xi32, #tpu.memory_space<hbm>> -> memref<40x128xi32, #tpu.memory_space<hbm>>
      %dma_start3A_94 = arith.constant 0 : i32
      %dma_start3A_95 = tpu.memref_slice %arg2[%add3A_21, %run_scoped3A, %dma_start3A_94] : memref<1250x2x128xi32, #tpu.memory_space<hbm>> -> memref<40x1x128xi32, #tpu.memory_space<hbm>>
      %dma_start3A_96 = tpu.memref_squeeze %dma_start3A_95 : memref<40x1x128xi32, #tpu.memory_space<hbm>> -> memref<40x128xi32, #tpu.memory_space<hbm>>
      tpu.enqueue_dma source(%dma_start3A_96 : memref<40x128xi32, #tpu.memory_space<hbm>>) target(%arg6 : memref<40x128xi32, #tpu.memory_space<vmem>>) target_semaphore(%run_scoped3A_91 : memref<!tpu.dma_semaphore, #tpu.memory_space<semaphore_mem>>)
      %dma_wait3A = arith.constant 0 : i32
      %dma_wait3A_97 = tpu.memref_slice %arg2[%add3A_21, %run_scoped3A, %dma_wait3A] : memref<1250x2x128xi32, #tpu.memory_space<hbm>> -> memref<40x1x128xi32, #tpu.memory_space<hbm>>
      %dma_wait3A_98 = tpu.memref_squeeze %dma_wait3A_97 : memref<40x1x128xi32, #tpu.memory_space<hbm>> -> memref<40x128xi32, #tpu.memory_space<hbm>>
      %dma_wait3A_99 = arith.constant 0 : i32
      %dma_wait3A_100 = tpu.memref_slice %arg2[%add3A_21, %run_scoped3A, %dma_wait3A_99] : memref<1250x2x128xi32, #tpu.memory_space<hbm>> -> memref<40x1x128xi32, #tpu.memory_space<hbm>>
      %dma_wait3A_101 = tpu.memref_squeeze %dma_wait3A_100 : memref<40x1x128xi32, #tpu.memory_space<hbm>> -> memref<40x128xi32, #tpu.memory_space<hbm>>
      tpu.wait_dma2 semaphore(%run_scoped3A_91 : memref<!tpu.dma_semaphore, #tpu.memory_space<semaphore_mem>>) src(%dma_wait3A_101 : memref<40x128xi32, #tpu.memory_space<hbm>>) dst(%arg6 : memref<40x128xi32, #tpu.memory_space<vmem>>)
      tpu.yield
    }) : () -> ()
    %mul3A_22 = arith.constant 8 : i32
    %mul3A_23 = arith.muli %add3A_21, %mul3A_22 : i32
    %multiple_of3A_24 = tpu.assume_multiple %mul3A_23, 8 : i32
    "tpu.region"() ({
      %run_scoped3A_91 = tpu.sem_alloc : memref<!tpu.dma_semaphore, #tpu.memory_space<semaphore_mem>>
      %dma_start3A = arith.constant 0 : i32
      %dma_start3A_92 = arith.constant 0 : i32
      %dma_start3A_93 = tpu.memref_slice %arg7[%dma_start3A, %dma_start3A_92] : memref<648x129xf32, #tpu.memory_space<vmem>> -> memref<320x128xf32, #tpu.memory_space<vmem>>
      %dma_start3A_94 = arith.constant 0 : i32
      %dma_start3A_95 = tpu.memref_slice %arg3[%multiple_of3A_24, %dma_start3A_94] : memref<20000x128xf32, #tpu.memory_space<hbm>> -> memref<320x128xf32, #tpu.memory_space<hbm>>
      %dma_start3A_96 = arith.constant 0 : i32
      %dma_start3A_97 = arith.constant 0 : i32
      %dma_start3A_98 = tpu.memref_slice %arg7[%dma_start3A_96, %dma_start3A_97] : memref<648x129xf32, #tpu.memory_space<vmem>> -> memref<320x128xf32, #tpu.memory_space<vmem>>
      %dma_start3A_99 = arith.constant 0 : i32
      %dma_start3A_100 = tpu.memref_slice %arg3[%multiple_of3A_24, %dma_start3A_99] : memref<20000x128xf32, #tpu.memory_space<hbm>> -> memref<320x128xf32, #tpu.memory_space<hbm>>
      tpu.enqueue_dma source(%dma_start3A_100 : memref<320x128xf32, #tpu.memory_space<hbm>>) target(%dma_start3A_98 : memref<320x128xf32, #tpu.memory_space<vmem>>) target_semaphore(%run_scoped3A_91 : memref<!tpu.dma_semaphore, #tpu.memory_space<semaphore_mem>>)
      %dma_wait3A = arith.constant 0 : i32
      %dma_wait3A_101 = arith.constant 0 : i32
      %dma_wait3A_102 = tpu.memref_slice %arg7[%dma_wait3A, %dma_wait3A_101] : memref<648x129xf32, #tpu.memory_space<vmem>> -> memref<320x128xf32, #tpu.memory_space<vmem>>
      %dma_wait3A_103 = arith.constant 0 : i32
      %dma_wait3A_104 = tpu.memref_slice %arg3[%multiple_of3A_24, %dma_wait3A_103] : memref<20000x128xf32, #tpu.memory_space<hbm>> -> memref<320x128xf32, #tpu.memory_space<hbm>>
      %dma_wait3A_105 = arith.constant 0 : i32
      %dma_wait3A_106 = arith.constant 0 : i32
      %dma_wait3A_107 = tpu.memref_slice %arg7[%dma_wait3A_105, %dma_wait3A_106] : memref<648x129xf32, #tpu.memory_space<vmem>> -> memref<320x128xf32, #tpu.memory_space<vmem>>
      %dma_wait3A_108 = arith.constant 0 : i32
      %dma_wait3A_109 = tpu.memref_slice %arg3[%multiple_of3A_24, %dma_wait3A_108] : memref<20000x128xf32, #tpu.memory_space<hbm>> -> memref<320x128xf32, #tpu.memory_space<hbm>>
      tpu.wait_dma2 semaphore(%run_scoped3A_91 : memref<!tpu.dma_semaphore, #tpu.memory_space<semaphore_mem>>) src(%dma_wait3A_109 : memref<320x128xf32, #tpu.memory_space<hbm>>) dst(%dma_wait3A_107 : memref<320x128xf32, #tpu.memory_space<vmem>>)
      tpu.yield
    }) : () -> ()
    %mul3A_25 = arith.constant 8 : i32
    %mul3A_26 = arith.muli %add3A_21, %mul3A_25 : i32
    %add3A_27 = arith.constant 10000 : i32
    %add3A_28 = arith.addi %add3A_27, %mul3A_26 : i32
    %multiple_of3A_29 = tpu.assume_multiple %add3A_28, 8 : i32
    "tpu.region"() ({
      %run_scoped3A_91 = tpu.sem_alloc : memref<!tpu.dma_semaphore, #tpu.memory_space<semaphore_mem>>
      %dma_start3A = arith.constant 328 : i32
      %dma_start3A_92 = arith.constant 0 : i32
      %dma_start3A_93 = tpu.memref_slice %arg7[%dma_start3A, %dma_start3A_92] : memref<648x129xf32, #tpu.memory_space<vmem>> -> memref<320x128xf32, #tpu.memory_space<vmem>>
      %dma_start3A_94 = arith.constant 0 : i32
      %dma_start3A_95 = tpu.memref_slice %arg3[%multiple_of3A_29, %dma_start3A_94] : memref<20000x128xf32, #tpu.memory_space<hbm>> -> memref<320x128xf32, #tpu.memory_space<hbm>>
      %dma_start3A_96 = arith.constant 328 : i32
      %dma_start3A_97 = arith.constant 0 : i32
      %dma_start3A_98 = tpu.memref_slice %arg7[%dma_start3A_96, %dma_start3A_97] : memref<648x129xf32, #tpu.memory_space<vmem>> -> memref<320x128xf32, #tpu.memory_space<vmem>>
      %dma_start3A_99 = arith.constant 0 : i32
      %dma_start3A_100 = tpu.memref_slice %arg3[%multiple_of3A_29, %dma_start3A_99] : memref<20000x128xf32, #tpu.memory_space<hbm>> -> memref<320x128xf32, #tpu.memory_space<hbm>>
      tpu.enqueue_dma source(%dma_start3A_100 : memref<320x128xf32, #tpu.memory_space<hbm>>) target(%dma_start3A_98 : memref<320x128xf32, #tpu.memory_space<vmem>>) target_semaphore(%run_scoped3A_91 : memref<!tpu.dma_semaphore, #tpu.memory_space<semaphore_mem>>)
      %dma_wait3A = arith.constant 328 : i32
      %dma_wait3A_101 = arith.constant 0 : i32
      %dma_wait3A_102 = tpu.memref_slice %arg7[%dma_wait3A, %dma_wait3A_101] : memref<648x129xf32, #tpu.memory_space<vmem>> -> memref<320x128xf32, #tpu.memory_space<vmem>>
      %dma_wait3A_103 = arith.constant 0 : i32
      %dma_wait3A_104 = tpu.memref_slice %arg3[%multiple_of3A_29, %dma_wait3A_103] : memref<20000x128xf32, #tpu.memory_space<hbm>> -> memref<320x128xf32, #tpu.memory_space<hbm>>
      %dma_wait3A_105 = arith.constant 328 : i32
      %dma_wait3A_106 = arith.constant 0 : i32
      %dma_wait3A_107 = tpu.memref_slice %arg7[%dma_wait3A_105, %dma_wait3A_106] : memref<648x129xf32, #tpu.memory_space<vmem>> -> memref<320x128xf32, #tpu.memory_space<vmem>>
      %dma_wait3A_108 = arith.constant 0 : i32
      %dma_wait3A_109 = tpu.memref_slice %arg3[%multiple_of3A_29, %dma_wait3A_108] : memref<20000x128xf32, #tpu.memory_space<hbm>> -> memref<320x128xf32, #tpu.memory_space<hbm>>
      tpu.wait_dma2 semaphore(%run_scoped3A_91 : memref<!tpu.dma_semaphore, #tpu.memory_space<semaphore_mem>>) src(%dma_wait3A_109 : memref<320x128xf32, #tpu.memory_space<hbm>>) dst(%dma_wait3A_107 : memref<320x128xf32, #tpu.memory_space<vmem>>)
      tpu.yield
    }) : () -> ()
    %barrier3A = arith.constant 0 : index
    tpu.barrier barrier_id(%barrier3A)
    %iota3A = tpu.iota {dimensions = array<i32: 0>} : vector<16xi32>
    %jit3A = arith.constant 8 : i32
    %div3A = vector.broadcast %jit3A : i32 to vector<16xi32>
    %div3A_30 = arith.divsi %iota3A, %div3A : vector<16xi32>
    %sign3A = arith.constant 0 : i32
    %sign3A_31 = vector.broadcast %sign3A : i32 to vector<16xi32>
    %sign3A_32 = arith.cmpi sgt, %iota3A, %sign3A_31 : vector<16xi32>
    %sign3A_33 = arith.extui %sign3A_32 : vector<16xi1> to vector<16xi32>
    %sign3A_34 = arith.constant 0 : i32
    %sign3A_35 = vector.broadcast %sign3A_34 : i32 to vector<16xi32>
    %sign3A_36 = arith.cmpi slt, %iota3A, %sign3A_35 : vector<16xi32>
    %sign3A_37 = arith.extui %sign3A_36 : vector<16xi1> to vector<16xi32>
    %sign3A_38 = arith.subi %sign3A_33, %sign3A_37 : vector<16xi32>
    %sign3A_39 = arith.constant 0 : i32
    %sign3A_40 = arith.cmpi sgt, %jit3A, %sign3A_39 : i32
    %sign3A_41 = arith.extui %sign3A_40 : i1 to i32
    %sign3A_42 = arith.constant 0 : i32
    %sign3A_43 = arith.cmpi slt, %jit3A, %sign3A_42 : i32
    %sign3A_44 = arith.extui %sign3A_43 : i1 to i32
    %sign3A_45 = arith.subi %sign3A_41, %sign3A_44 : i32
    %ne3A = vector.broadcast %sign3A_45 : i32 to vector<16xi32>
    %ne3A_46 = arith.cmpi ne, %sign3A_38, %ne3A : vector<16xi32>
    %rem3A = vector.broadcast %jit3A : i32 to vector<16xi32>
    %rem3A_47 = arith.remsi %iota3A, %rem3A : vector<16xi32>
    %ne3A_48 = arith.constant 0 : i32
    %ne3A_49 = vector.broadcast %ne3A_48 : i32 to vector<16xi32>
    %ne3A_50 = arith.cmpi ne, %rem3A_47, %ne3A_49 : vector<16xi32>
    %and3A = arith.andi %ne3A_46, %ne3A_50 : vector<16xi1>
    %sub3A_51 = arith.constant 1 : i32
    %sub3A_52 = vector.broadcast %sub3A_51 : i32 to vector<16xi32>
    %sub3A_53 = arith.subi %div3A_30, %sub3A_52 : vector<16xi32>
    %select_n3A = arith.select %and3A, %sub3A_53, %div3A_30 : vector<16xi1>, vector<16xi32>
    %mul3A_54 = arith.constant 328 : i32
    %mul3A_55 = vector.broadcast %mul3A_54 : i32 to vector<16xi32>
    %mul3A_56 = arith.muli %select_n3A, %mul3A_55 : vector<16xi32>
    %jit3A_57 = arith.constant 8 : i32
    %eq3A = arith.constant 0 : i32
    %eq3A_58 = arith.cmpi eq, %jit3A_57, %eq3A : i32
    %jit3A_59 = arith.constant 1 : i32
    %select_n3A_60 = arith.select %eq3A_58, %jit3A_59, %jit3A_57 : i32
    %rem3A_61 = vector.broadcast %select_n3A_60 : i32 to vector<16xi32>
    %rem3A_62 = arith.remsi %iota3A, %rem3A_61 : vector<16xi32>
    %ne3A_63 = arith.constant 0 : i32
    %ne3A_64 = vector.broadcast %ne3A_63 : i32 to vector<16xi32>
    %ne3A_65 = arith.cmpi ne, %rem3A_62, %ne3A_64 : vector<16xi32>
    %lt3A = arith.constant 0 : i32
    %lt3A_66 = vector.broadcast %lt3A : i32 to vector<16xi32>
    %lt3A_67 = arith.cmpi slt, %rem3A_62, %lt3A_66 : vector<16xi32>
    %lt3A_68 = arith.constant 0 : i32
    %lt3A_69 = arith.cmpi slt, %select_n3A_60, %lt3A_68 : i32
    %ne3A_70 = vector.broadcast %lt3A_69 : i1 to vector<16xi1>
    %ne3A_71 = vector.broadcast %ne3A_70 : vector<16xi1> to vector<16xi1>
    %ne3A_72 = arith.xori %lt3A_67, %ne3A_71 : vector<16xi1>
    %and3A_73 = arith.andi %ne3A_72, %ne3A_65 : vector<16xi1>
    %add3A_74 = vector.broadcast %select_n3A_60 : i32 to vector<16xi32>
    %add3A_75 = arith.addi %rem3A_62, %add3A_74 : vector<16xi32>
    %select_n3A_76 = arith.select %and3A_73, %add3A_75, %rem3A_62 : vector<16xi1>, vector<16xi32>
    %add3A_77 = arith.addi %mul3A_56, %select_n3A_76 : vector<16xi32>
    %ge3A = arith.constant 30 : i32
    %ge3A_78 = arith.cmpi sge, %add3A, %ge3A : i32
    %convert_element_type3A = arith.extui %ge3A_78 : i1 to i32
    %add3A_79 = arith.constant 39 : i32
    %add3A_80 = arith.addi %add3A_79, %convert_element_type3A : i32
    %while3A = arith.constant 0 : i32
    %while3A_81 = arith.constant 0 : i32
    %while3A_82 = arith.subi %add3A_80, %while3A_81 : i32
    %while3A_83 = arith.addi %while3A_81, %while3A_82 : i32
    %while3A_84 = arith.constant 1 : i32
    %while3A_85 = arith.divsi %while3A_82, %while3A_84 : i32
    %while3A_86 = arith.muli %while3A_85, %while3A_84 : i32
    %while3A_87 = arith.addi %while3A_81, %while3A_86 : i32
    %while3A_88 = arith.constant 1 : i32
    scf.for %while3A_91 = %while3A_81 to %while3A_87 step %while3A_88  : i32 {
      %mul3A_92 = arith.constant 8 : i32
      %mul3A_93 = arith.muli %while3A_91, %mul3A_92 : i32
      %add3A_94 = vector.broadcast %mul3A_93 : i32 to vector<16xi32>
      %add3A_95 = arith.addi %add3A_77, %add3A_94 : vector<16xi32>
      %scan3A_96 = arith.constant 0 : i32
      %scan3A_97 = arith.constant 0 : i32
      %scan3A_98 = arith.constant 128 : i32
      %scan3A_99 = arith.addi %scan3A_97, %scan3A_98 : i32
      %scan3A_100 = arith.constant 8 : i32
      scf.for %scan3A_124 = %scan3A_97 to %scan3A_99 step %scan3A_100  : i32 {
        %broadcast_in_dim3A_125 = vector.broadcast %scan3A_124 : i32 to vector<16xi32>
        %gather3A = tpu.vector_load_idx %arg7[%add3A_95, %broadcast_in_dim3A_125] : memref<648x129xf32, #tpu.memory_space<vmem>>[vector<16xi32>, vector<16xi32>], vector<16xf32>,
        %swap3A = arith.index_cast %scan3A_124 : i32 to index
        %swap3A_126 = arith.constant 0 : index
        %swap3A_127 = tpu.vector_load %arg8[%swap3A, %swap3A_126] {strides = array<i32>} : memref<128x16xf32, #tpu.memory_space<vmem>>, vector<16xf32>,
        tpu.vector_store %arg8[%swap3A, %swap3A_126], %gather3A {strides = array<i32>} : memref<128x16xf32, #tpu.memory_space<vmem>>, vector<16xf32>,
        %scan3A_128 = arith.constant 1 : i32
        %scan3A_129 = arith.addi %scan3A_124, %scan3A_128 : i32
        %broadcast_in_dim3A_130 = vector.broadcast %scan3A_129 : i32 to vector<16xi32>
        %gather3A_131 = tpu.vector_load_idx %arg7[%add3A_95, %broadcast_in_dim3A_130] : memref<648x129xf32, #tpu.memory_space<vmem>>[vector<16xi32>, vector<16xi32>], vector<16xf32>,
        %swap3A_132 = arith.index_cast %scan3A_129 : i32 to index
        %swap3A_133 = arith.constant 0 : index
        %swap3A_134 = tpu.vector_load %arg8[%swap3A_132, %swap3A_133] {strides = array<i32>} : memref<128x16xf32, #tpu.memory_space<vmem>>, vector<16xf32>,
        tpu.vector_store %arg8[%swap3A_132, %swap3A_133], %gather3A_131 {strides = array<i32>} : memref<128x16xf32, #tpu.memory_space<vmem>>, vector<16xf32>,
        %scan3A_135 = arith.constant 2 : i32
        %scan3A_136 = arith.addi %scan3A_124, %scan3A_135 : i32
        %broadcast_in_dim3A_137 = vector.broadcast %scan3A_136 : i32 to vector<16xi32>
        %gather3A_138 = tpu.vector_load_idx %arg7[%add3A_95, %broadcast_in_dim3A_137] : memref<648x129xf32, #tpu.memory_space<vmem>>[vector<16xi32>, vector<16xi32>], vector<16xf32>,
        %swap3A_139 = arith.index_cast %scan3A_136 : i32 to index
        %swap3A_140 = arith.constant 0 : index
        %swap3A_141 = tpu.vector_load %arg8[%swap3A_139, %swap3A_140] {strides = array<i32>} : memref<128x16xf32, #tpu.memory_space<vmem>>, vector<16xf32>,
        tpu.vector_store %arg8[%swap3A_139, %swap3A_140], %gather3A_138 {strides = array<i32>} : memref<128x16xf32, #tpu.memory_space<vmem>>, vector<16xf32>,
        %scan3A_142 = arith.constant 3 : i32
        %scan3A_143 = arith.addi %scan3A_124, %scan3A_142 : i32
        %broadcast_in_dim3A_144 = vector.broadcast %scan3A_143 : i32 to vector<16xi32>
        %gather3A_145 = tpu.vector_load_idx %arg7[%add3A_95, %broadcast_in_dim3A_144] : memref<648x129xf32, #tpu.memory_space<vmem>>[vector<16xi32>, vector<16xi32>], vector<16xf32>,
        %swap3A_146 = arith.index_cast %scan3A_143 : i32 to index
        %swap3A_147 = arith.constant 0 : index
        %swap3A_148 = tpu.vector_load %arg8[%swap3A_146, %swap3A_147] {strides = array<i32>} : memref<128x16xf32, #tpu.memory_space<vmem>>, vector<16xf32>,
        tpu.vector_store %arg8[%swap3A_146, %swap3A_147], %gather3A_145 {strides = array<i32>} : memref<128x16xf32, #tpu.memory_space<vmem>>, vector<16xf32>,
        %scan3A_149 = arith.constant 4 : i32
        %scan3A_150 = arith.addi %scan3A_124, %scan3A_149 : i32
        %broadcast_in_dim3A_151 = vector.broadcast %scan3A_150 : i32 to vector<16xi32>
        %gather3A_152 = tpu.vector_load_idx %arg7[%add3A_95, %broadcast_in_dim3A_151] : memref<648x129xf32, #tpu.memory_space<vmem>>[vector<16xi32>, vector<16xi32>], vector<16xf32>,
        %swap3A_153 = arith.index_cast %scan3A_150 : i32 to index
        %swap3A_154 = arith.constant 0 : index
        %swap3A_155 = tpu.vector_load %arg8[%swap3A_153, %swap3A_154] {strides = array<i32>} : memref<128x16xf32, #tpu.memory_space<vmem>>, vector<16xf32>,
        tpu.vector_store %arg8[%swap3A_153, %swap3A_154], %gather3A_152 {strides = array<i32>} : memref<128x16xf32, #tpu.memory_space<vmem>>, vector<16xf32>,
        %scan3A_156 = arith.constant 5 : i32
        %scan3A_157 = arith.addi %scan3A_124, %scan3A_156 : i32
        %broadcast_in_dim3A_158 = vector.broadcast %scan3A_157 : i32 to vector<16xi32>
        %gather3A_159 = tpu.vector_load_idx %arg7[%add3A_95, %broadcast_in_dim3A_158] : memref<648x129xf32, #tpu.memory_space<vmem>>[vector<16xi32>, vector<16xi32>], vector<16xf32>,
        %swap3A_160 = arith.index_cast %scan3A_157 : i32 to index
        %swap3A_161 = arith.constant 0 : index
        %swap3A_162 = tpu.vector_load %arg8[%swap3A_160, %swap3A_161] {strides = array<i32>} : memref<128x16xf32, #tpu.memory_space<vmem>>, vector<16xf32>,
        tpu.vector_store %arg8[%swap3A_160, %swap3A_161], %gather3A_159 {strides = array<i32>} : memref<128x16xf32, #tpu.memory_space<vmem>>, vector<16xf32>,
        %scan3A_163 = arith.constant 6 : i32
        %scan3A_164 = arith.addi %scan3A_124, %scan3A_163 : i32
        %broadcast_in_dim3A_165 = vector.broadcast %scan3A_164 : i32 to vector<16xi32>
        %gather3A_166 = tpu.vector_load_idx %arg7[%add3A_95, %broadcast_in_dim3A_165] : memref<648x129xf32, #tpu.memory_space<vmem>>[vector<16xi32>, vector<16xi32>], vector<16xf32>,
        %swap3A_167 = arith.index_cast %scan3A_164 : i32 to index
        %swap3A_168 = arith.constant 0 : index
        %swap3A_169 = tpu.vector_load %arg8[%swap3A_167, %swap3A_168] {strides = array<i32>} : memref<128x16xf32, #tpu.memory_space<vmem>>, vector<16xf32>,
        tpu.vector_store %arg8[%swap3A_167, %swap3A_168], %gather3A_166 {strides = array<i32>} : memref<128x16xf32, #tpu.memory_space<vmem>>, vector<16xf32>,
        %scan3A_170 = arith.constant 7 : i32
        %scan3A_171 = arith.addi %scan3A_124, %scan3A_170 : i32
        %broadcast_in_dim3A_172 = vector.broadcast %scan3A_171 : i32 to vector<16xi32>
        %gather3A_173 = tpu.vector_load_idx %arg7[%add3A_95, %broadcast_in_dim3A_172] : memref<648x129xf32, #tpu.memory_space<vmem>>[vector<16xi32>, vector<16xi32>], vector<16xf32>,
        %swap3A_174 = arith.index_cast %scan3A_171 : i32 to index
        %swap3A_175 = arith.constant 0 : index
        %swap3A_176 = tpu.vector_load %arg8[%swap3A_174, %swap3A_175] {strides = array<i32>} : memref<128x16xf32, #tpu.memory_space<vmem>>, vector<16xf32>,
        tpu.vector_store %arg8[%swap3A_174, %swap3A_175], %gather3A_173 {strides = array<i32>} : memref<128x16xf32, #tpu.memory_space<vmem>>, vector<16xf32>,
      }
      %scan3A_101 = arith.constant 128 : i32
      %dma_start3A = arith.constant 0 : i32
      %dma_start3A_102 = tpu.memref_slice %arg6[%while3A_91, %dma_start3A] : memref<40x128xi32, #tpu.memory_space<vmem>> -> memref<1x128xi32, #tpu.memory_space<vmem>>
      %dma_start3A_103 = tpu.memref_squeeze %dma_start3A_102 : memref<1x128xi32, #tpu.memory_space<vmem>> -> memref<128xi32, #tpu.memory_space<vmem>>
      %dma_start3A_104 = arith.constant 0 : i32
      %dma_start3A_105 = arith.constant 0 : i32
      %dma_start3A_106 = tpu.memref_slice %arg11[%dma_start3A_104, %dma_start3A_105] : memref<10112x16xf32, #tpu.memory_space<vmem_shared>> -> memref<10112x16xf32, #tpu.memory_space<vmem_shared>>
      tpu.enqueue_indirect_dma source(%arg8 : memref<128x16xf32, #tpu.memory_space<vmem>>) target(%dma_start3A_106 : memref<10112x16xf32, #tpu.memory_space<vmem_shared>>) offsets(%dma_start3A_103 : memref<128xi32, #tpu.memory_space<vmem>>) semaphore(%arg13 : memref<!tpu.dma_semaphore, #tpu.memory_space<semaphore_mem>>) {add = true}
      %dma_start3A_107 = arith.constant 0 : i32
      %dma_start3A_108 = tpu.memref_slice %arg6[%while3A_91, %dma_start3A_107] : memref<40x128xi32, #tpu.memory_space<vmem>> -> memref<1x128xi32, #tpu.memory_space<vmem>>
      %dma_start3A_109 = tpu.memref_squeeze %dma_start3A_108 : memref<1x128xi32, #tpu.memory_space<vmem>> -> memref<128xi32, #tpu.memory_space<vmem>>
      %dma_start3A_110 = arith.constant 0 : i32
      %dma_start3A_111 = arith.constant 0 : i32
      %dma_start3A_112 = tpu.memref_slice %arg12[%dma_start3A_110, %dma_start3A_111] : memref<10112x16xf32, #tpu.memory_space<vmem_shared>> -> memref<10112x16xf32, #tpu.memory_space<vmem_shared>>
      tpu.enqueue_indirect_dma source(%arg9 : memref<128x16xf32, #tpu.memory_space<vmem>>) target(%dma_start3A_112 : memref<10112x16xf32, #tpu.memory_space<vmem_shared>>) offsets(%dma_start3A_109 : memref<128xi32, #tpu.memory_space<vmem>>) semaphore(%arg14 : memref<!tpu.dma_semaphore, #tpu.memory_space<semaphore_mem>>) {add = true}
      %dma_wait3A = arith.constant 0 : i32
      %dma_wait3A_113 = tpu.memref_slice %arg6[%while3A_91, %dma_wait3A] : memref<40x128xi32, #tpu.memory_space<vmem>> -> memref<1x128xi32, #tpu.memory_space<vmem>>
      %dma_wait3A_114 = tpu.memref_squeeze %dma_wait3A_113 : memref<1x128xi32, #tpu.memory_space<vmem>> -> memref<128xi32, #tpu.memory_space<vmem>>
      %dma_wait3A_115 = arith.constant 0 : i32
      %dma_wait3A_116 = arith.constant 0 : i32
      %dma_wait3A_117 = tpu.memref_slice %arg11[%dma_wait3A_115, %dma_wait3A_116] : memref<10112x16xf32, #tpu.memory_space<vmem_shared>> -> memref<10112x16xf32, #tpu.memory_space<vmem_shared>>
      tpu.wait_indirect_dma semaphore(%arg13 : memref<!tpu.dma_semaphore, #tpu.memory_space<semaphore_mem>>) src(%arg8 : memref<128x16xf32, #tpu.memory_space<vmem>>) dst(%dma_wait3A_117 : memref<10112x16xf32, #tpu.memory_space<vmem_shared>>)
      %dma_wait3A_118 = arith.constant 0 : i32
      %dma_wait3A_119 = tpu.memref_slice %arg6[%while3A_91, %dma_wait3A_118] : memref<40x128xi32, #tpu.memory_space<vmem>> -> memref<1x128xi32, #tpu.memory_space<vmem>>
      %dma_wait3A_120 = tpu.memref_squeeze %dma_wait3A_119 : memref<1x128xi32, #tpu.memory_space<vmem>> -> memref<128xi32, #tpu.memory_space<vmem>>
      %dma_wait3A_121 = arith.constant 0 : i32
      %dma_wait3A_122 = arith.constant 0 : i32
      %dma_wait3A_123 = tpu.memref_slice %arg12[%dma_wait3A_121, %dma_wait3A_122] : memref<10112x16xf32, #tpu.memory_space<vmem_shared>> -> memref<10112x16xf32, #tpu.memory_space<vmem_shared>>
      tpu.wait_indirect_dma semaphore(%arg14 : memref<!tpu.dma_semaphore, #tpu.memory_space<semaphore_mem>>) src(%arg9 : memref<128x16xf32, #tpu.memory_space<vmem>>) dst(%dma_wait3A_123 : memref<10112x16xf32, #tpu.memory_space<vmem_shared>>)
    }
    %while3A_89 = arith.constant 1 : i32
    scf.for %while3A_91 = %while3A_87 to %while3A_83 step %while3A_89  : i32 {
      %mul3A_92 = arith.constant 8 : i32
      %mul3A_93 = arith.muli %while3A_91, %mul3A_92 : i32
      %add3A_94 = vector.broadcast %mul3A_93 : i32 to vector<16xi32>
      %add3A_95 = arith.addi %add3A_77, %add3A_94 : vector<16xi32>
      %scan3A_96 = arith.constant 0 : i32
      %scan3A_97 = arith.constant 0 : i32
      %scan3A_98 = arith.constant 128 : i32
      %scan3A_99 = arith.addi %scan3A_97, %scan3A_98 : i32
      %scan3A_100 = arith.constant 8 : i32
      scf.for %scan3A_124 = %scan3A_97 to %scan3A_99 step %scan3A_100  : i32 {
        %broadcast_in_dim3A_125 = vector.broadcast %scan3A_124 : i32 to vector<16xi32>
        %gather3A = tpu.vector_load_idx %arg7[%add3A_95, %broadcast_in_dim3A_125] : memref<648x129xf32, #tpu.memory_space<vmem>>[vector<16xi32>, vector<16xi32>], vector<16xf32>,
        %swap3A = arith.index_cast %scan3A_124 : i32 to index
        %swap3A_126 = arith.constant 0 : index
        %swap3A_127 = tpu.vector_load %arg8[%swap3A, %swap3A_126] {strides = array<i32>} : memref<128x16xf32, #tpu.memory_space<vmem>>, vector<16xf32>,
        tpu.vector_store %arg8[%swap3A, %swap3A_126], %gather3A {strides = array<i32>} : memref<128x16xf32, #tpu.memory_space<vmem>>, vector<16xf32>,
        %scan3A_128 = arith.constant 1 : i32
        %scan3A_129 = arith.addi %scan3A_124, %scan3A_128 : i32
        %broadcast_in_dim3A_130 = vector.broadcast %scan3A_129 : i32 to vector<16xi32>
        %gather3A_131 = tpu.vector_load_idx %arg7[%add3A_95, %broadcast_in_dim3A_130] : memref<648x129xf32, #tpu.memory_space<vmem>>[vector<16xi32>, vector<16xi32>], vector<16xf32>,
        %swap3A_132 = arith.index_cast %scan3A_129 : i32 to index
        %swap3A_133 = arith.constant 0 : index
        %swap3A_134 = tpu.vector_load %arg8[%swap3A_132, %swap3A_133] {strides = array<i32>} : memref<128x16xf32, #tpu.memory_space<vmem>>, vector<16xf32>,
        tpu.vector_store %arg8[%swap3A_132, %swap3A_133], %gather3A_131 {strides = array<i32>} : memref<128x16xf32, #tpu.memory_space<vmem>>, vector<16xf32>,
        %scan3A_135 = arith.constant 2 : i32
        %scan3A_136 = arith.addi %scan3A_124, %scan3A_135 : i32
        %broadcast_in_dim3A_137 = vector.broadcast %scan3A_136 : i32 to vector<16xi32>
        %gather3A_138 = tpu.vector_load_idx %arg7[%add3A_95, %broadcast_in_dim3A_137] : memref<648x129xf32, #tpu.memory_space<vmem>>[vector<16xi32>, vector<16xi32>], vector<16xf32>,
        %swap3A_139 = arith.index_cast %scan3A_136 : i32 to index
        %swap3A_140 = arith.constant 0 : index
        %swap3A_141 = tpu.vector_load %arg8[%swap3A_139, %swap3A_140] {strides = array<i32>} : memref<128x16xf32, #tpu.memory_space<vmem>>, vector<16xf32>,
        tpu.vector_store %arg8[%swap3A_139, %swap3A_140], %gather3A_138 {strides = array<i32>} : memref<128x16xf32, #tpu.memory_space<vmem>>, vector<16xf32>,
        %scan3A_142 = arith.constant 3 : i32
        %scan3A_143 = arith.addi %scan3A_124, %scan3A_142 : i32
        %broadcast_in_dim3A_144 = vector.broadcast %scan3A_143 : i32 to vector<16xi32>
        %gather3A_145 = tpu.vector_load_idx %arg7[%add3A_95, %broadcast_in_dim3A_144] : memref<648x129xf32, #tpu.memory_space<vmem>>[vector<16xi32>, vector<16xi32>], vector<16xf32>,
        %swap3A_146 = arith.index_cast %scan3A_143 : i32 to index
        %swap3A_147 = arith.constant 0 : index
        %swap3A_148 = tpu.vector_load %arg8[%swap3A_146, %swap3A_147] {strides = array<i32>} : memref<128x16xf32, #tpu.memory_space<vmem>>, vector<16xf32>,
        tpu.vector_store %arg8[%swap3A_146, %swap3A_147], %gather3A_145 {strides = array<i32>} : memref<128x16xf32, #tpu.memory_space<vmem>>, vector<16xf32>,
        %scan3A_149 = arith.constant 4 : i32
        %scan3A_150 = arith.addi %scan3A_124, %scan3A_149 : i32
        %broadcast_in_dim3A_151 = vector.broadcast %scan3A_150 : i32 to vector<16xi32>
        %gather3A_152 = tpu.vector_load_idx %arg7[%add3A_95, %broadcast_in_dim3A_151] : memref<648x129xf32, #tpu.memory_space<vmem>>[vector<16xi32>, vector<16xi32>], vector<16xf32>,
        %swap3A_153 = arith.index_cast %scan3A_150 : i32 to index
        %swap3A_154 = arith.constant 0 : index
        %swap3A_155 = tpu.vector_load %arg8[%swap3A_153, %swap3A_154] {strides = array<i32>} : memref<128x16xf32, #tpu.memory_space<vmem>>, vector<16xf32>,
        tpu.vector_store %arg8[%swap3A_153, %swap3A_154], %gather3A_152 {strides = array<i32>} : memref<128x16xf32, #tpu.memory_space<vmem>>, vector<16xf32>,
        %scan3A_156 = arith.constant 5 : i32
        %scan3A_157 = arith.addi %scan3A_124, %scan3A_156 : i32
        %broadcast_in_dim3A_158 = vector.broadcast %scan3A_157 : i32 to vector<16xi32>
        %gather3A_159 = tpu.vector_load_idx %arg7[%add3A_95, %broadcast_in_dim3A_158] : memref<648x129xf32, #tpu.memory_space<vmem>>[vector<16xi32>, vector<16xi32>], vector<16xf32>,
        %swap3A_160 = arith.index_cast %scan3A_157 : i32 to index
        %swap3A_161 = arith.constant 0 : index
        %swap3A_162 = tpu.vector_load %arg8[%swap3A_160, %swap3A_161] {strides = array<i32>} : memref<128x16xf32, #tpu.memory_space<vmem>>, vector<16xf32>,
        tpu.vector_store %arg8[%swap3A_160, %swap3A_161], %gather3A_159 {strides = array<i32>} : memref<128x16xf32, #tpu.memory_space<vmem>>, vector<16xf32>,
        %scan3A_163 = arith.constant 6 : i32
        %scan3A_164 = arith.addi %scan3A_124, %scan3A_163 : i32
        %broadcast_in_dim3A_165 = vector.broadcast %scan3A_164 : i32 to vector<16xi32>
        %gather3A_166 = tpu.vector_load_idx %arg7[%add3A_95, %broadcast_in_dim3A_165] : memref<648x129xf32, #tpu.memory_space<vmem>>[vector<16xi32>, vector<16xi32>], vector<16xf32>,
        %swap3A_167 = arith.index_cast %scan3A_164 : i32 to index
        %swap3A_168 = arith.constant 0 : index
        %swap3A_169 = tpu.vector_load %arg8[%swap3A_167, %swap3A_168] {strides = array<i32>} : memref<128x16xf32, #tpu.memory_space<vmem>>, vector<16xf32>,
        tpu.vector_store %arg8[%swap3A_167, %swap3A_168], %gather3A_166 {strides = array<i32>} : memref<128x16xf32, #tpu.memory_space<vmem>>, vector<16xf32>,
        %scan3A_170 = arith.constant 7 : i32
        %scan3A_171 = arith.addi %scan3A_124, %scan3A_170 : i32
        %broadcast_in_dim3A_172 = vector.broadcast %scan3A_171 : i32 to vector<16xi32>
        %gather3A_173 = tpu.vector_load_idx %arg7[%add3A_95, %broadcast_in_dim3A_172] : memref<648x129xf32, #tpu.memory_space<vmem>>[vector<16xi32>, vector<16xi32>], vector<16xf32>,
        %swap3A_174 = arith.index_cast %scan3A_171 : i32 to index
        %swap3A_175 = arith.constant 0 : index
        %swap3A_176 = tpu.vector_load %arg8[%swap3A_174, %swap3A_175] {strides = array<i32>} : memref<128x16xf32, #tpu.memory_space<vmem>>, vector<16xf32>,
        tpu.vector_store %arg8[%swap3A_174, %swap3A_175], %gather3A_173 {strides = array<i32>} : memref<128x16xf32, #tpu.memory_space<vmem>>, vector<16xf32>,
      }
      %scan3A_101 = arith.constant 128 : i32
      %dma_start3A = arith.constant 0 : i32
      %dma_start3A_102 = tpu.memref_slice %arg6[%while3A_91, %dma_start3A] : memref<40x128xi32, #tpu.memory_space<vmem>> -> memref<1x128xi32, #tpu.memory_space<vmem>>
      %dma_start3A_103 = tpu.memref_squeeze %dma_start3A_102 : memref<1x128xi32, #tpu.memory_space<vmem>> -> memref<128xi32, #tpu.memory_space<vmem>>
      %dma_start3A_104 = arith.constant 0 : i32
      %dma_start3A_105 = arith.constant 0 : i32
      %dma_start3A_106 = tpu.memref_slice %arg11[%dma_start3A_104, %dma_start3A_105] : memref<10112x16xf32, #tpu.memory_space<vmem_shared>> -> memref<10112x16xf32, #tpu.memory_space<vmem_shared>>
      tpu.enqueue_indirect_dma source(%arg8 : memref<128x16xf32, #tpu.memory_space<vmem>>) target(%dma_start3A_106 : memref<10112x16xf32, #tpu.memory_space<vmem_shared>>) offsets(%dma_start3A_103 : memref<128xi32, #tpu.memory_space<vmem>>) semaphore(%arg13 : memref<!tpu.dma_semaphore, #tpu.memory_space<semaphore_mem>>) {add = true}
      %dma_start3A_107 = arith.constant 0 : i32
      %dma_start3A_108 = tpu.memref_slice %arg6[%while3A_91, %dma_start3A_107] : memref<40x128xi32, #tpu.memory_space<vmem>> -> memref<1x128xi32, #tpu.memory_space<vmem>>
      %dma_start3A_109 = tpu.memref_squeeze %dma_start3A_108 : memref<1x128xi32, #tpu.memory_space<vmem>> -> memref<128xi32, #tpu.memory_space<vmem>>
      %dma_start3A_110 = arith.constant 0 : i32
      %dma_start3A_111 = arith.constant 0 : i32
      %dma_start3A_112 = tpu.memref_slice %arg12[%dma_start3A_110, %dma_start3A_111] : memref<10112x16xf32, #tpu.memory_space<vmem_shared>> -> memref<10112x16xf32, #tpu.memory_space<vmem_shared>>
      tpu.enqueue_indirect_dma source(%arg9 : memref<128x16xf32, #tpu.memory_space<vmem>>) target(%dma_start3A_112 : memref<10112x16xf32, #tpu.memory_space<vmem_shared>>) offsets(%dma_start3A_109 : memref<128xi32, #tpu.memory_space<vmem>>) semaphore(%arg14 : memref<!tpu.dma_semaphore, #tpu.memory_space<semaphore_mem>>) {add = true}
      %dma_wait3A = arith.constant 0 : i32
      %dma_wait3A_113 = tpu.memref_slice %arg6[%while3A_91, %dma_wait3A] : memref<40x128xi32, #tpu.memory_space<vmem>> -> memref<1x128xi32, #tpu.memory_space<vmem>>
      %dma_wait3A_114 = tpu.memref_squeeze %dma_wait3A_113 : memref<1x128xi32, #tpu.memory_space<vmem>> -> memref<128xi32, #tpu.memory_space<vmem>>
      %dma_wait3A_115 = arith.constant 0 : i32
      %dma_wait3A_116 = arith.constant 0 : i32
      %dma_wait3A_117 = tpu.memref_slice %arg11[%dma_wait3A_115, %dma_wait3A_116] : memref<10112x16xf32, #tpu.memory_space<vmem_shared>> -> memref<10112x16xf32, #tpu.memory_space<vmem_shared>>
      tpu.wait_indirect_dma semaphore(%arg13 : memref<!tpu.dma_semaphore, #tpu.memory_space<semaphore_mem>>) src(%arg8 : memref<128x16xf32, #tpu.memory_space<vmem>>) dst(%dma_wait3A_117 : memref<10112x16xf32, #tpu.memory_space<vmem_shared>>)
      %dma_wait3A_118 = arith.constant 0 : i32
      %dma_wait3A_119 = tpu.memref_slice %arg6[%while3A_91, %dma_wait3A_118] : memref<40x128xi32, #tpu.memory_space<vmem>> -> memref<1x128xi32, #tpu.memory_space<vmem>>
      %dma_wait3A_120 = tpu.memref_squeeze %dma_wait3A_119 : memref<1x128xi32, #tpu.memory_space<vmem>> -> memref<128xi32, #tpu.memory_space<vmem>>
      %dma_wait3A_121 = arith.constant 0 : i32
      %dma_wait3A_122 = arith.constant 0 : i32
      %dma_wait3A_123 = tpu.memref_slice %arg12[%dma_wait3A_121, %dma_wait3A_122] : memref<10112x16xf32, #tpu.memory_space<vmem_shared>> -> memref<10112x16xf32, #tpu.memory_space<vmem_shared>>
      tpu.wait_indirect_dma semaphore(%arg14 : memref<!tpu.dma_semaphore, #tpu.memory_space<semaphore_mem>>) src(%arg9 : memref<128x16xf32, #tpu.memory_space<vmem>>) dst(%dma_wait3A_123 : memref<10112x16xf32, #tpu.memory_space<vmem_shared>>)
    }
    %barrier3A_90 = arith.constant 0 : index
    tpu.barrier barrier_id(%barrier3A_90)
    "tpu.region"() ({
      %run_scoped3A_91 = tpu.sem_alloc : memref<!tpu.dma_semaphore, #tpu.memory_space<semaphore_mem>>
      %dma_start3A = arith.constant 0 : i32
      %dma_start3A_92 = tpu.memref_slice %arg4[%arg0, %multiple_of3A, %dma_start3A] : memref<2x10112x16xf32, #tpu.memory_space<hbm>> -> memref<1x632x16xf32, #tpu.memory_space<hbm>>
      %dma_start3A_93 = tpu.memref_squeeze %dma_start3A_92 : memref<1x632x16xf32, #tpu.memory_space<hbm>> -> memref<632x16xf32, #tpu.memory_space<hbm>>
      %dma_start3A_94 = arith.constant 0 : i32
      %dma_start3A_95 = tpu.memref_slice %arg11[%multiple_of3A, %dma_start3A_94] : memref<10112x16xf32, #tpu.memory_space<vmem_shared>> -> memref<632x16xf32, #tpu.memory_space<vmem_shared>>
      tpu.enqueue_dma source(%dma_start3A_95 : memref<632x16xf32, #tpu.memory_space<vmem_shared>>) target(%dma_start3A_93 : memref<632x16xf32, #tpu.memory_space<hbm>>) target_semaphore(%run_scoped3A_91 : memref<!tpu.dma_semaphore, #tpu.memory_space<semaphore_mem>>)
      %dma_wait3A = arith.constant 0 : i32
      %dma_wait3A_96 = tpu.memref_slice %arg4[%arg0, %multiple_of3A, %dma_wait3A] : memref<2x10112x16xf32, #tpu.memory_space<hbm>> -> memref<1x632x16xf32, #tpu.memory_space<hbm>>
      %dma_wait3A_97 = tpu.memref_squeeze %dma_wait3A_96 : memref<1x632x16xf32, #tpu.memory_space<hbm>> -> memref<632x16xf32, #tpu.memory_space<hbm>>
      %dma_wait3A_98 = arith.constant 0 : i32
      %dma_wait3A_99 = tpu.memref_slice %arg11[%multiple_of3A, %dma_wait3A_98] : memref<10112x16xf32, #tpu.memory_space<vmem_shared>> -> memref<632x16xf32, #tpu.memory_space<vmem_shared>>
      tpu.wait_dma2 semaphore(%run_scoped3A_91 : memref<!tpu.dma_semaphore, #tpu.memory_space<semaphore_mem>>) src(%dma_wait3A_99 : memref<632x16xf32, #tpu.memory_space<vmem_shared>>) dst(%dma_wait3A_97 : memref<632x16xf32, #tpu.memory_space<hbm>>)
      tpu.yield
    }) : () -> ()
    "tpu.region"() ({
      %run_scoped3A_91 = tpu.sem_alloc : memref<!tpu.dma_semaphore, #tpu.memory_space<semaphore_mem>>
      %dma_start3A = arith.constant 0 : i32
      %dma_start3A_92 = tpu.memref_slice %arg5[%arg0, %multiple_of3A, %dma_start3A] : memref<2x10112x16xf32, #tpu.memory_space<hbm>> -> memref<1x632x16xf32, #tpu.memory_space<hbm>>
      %dma_start3A_93 = tpu.memref_squeeze %dma_start3A_92 : memref<1x632x16xf32, #tpu.memory_space<hbm>> -> memref<632x16xf32, #tpu.memory_space<hbm>>
      %dma_start3A_94 = arith.constant 0 : i32
      %dma_start3A_95 = tpu.memref_slice %arg12[%multiple_of3A, %dma_start3A_94] : memref<10112x16xf32, #tpu.memory_space<vmem_shared>> -> memref<632x16xf32, #tpu.memory_space<vmem_shared>>
      tpu.enqueue_dma source(%dma_start3A_95 : memref<632x16xf32, #tpu.memory_space<vmem_shared>>) target(%dma_start3A_93 : memref<632x16xf32, #tpu.memory_space<hbm>>) target_semaphore(%run_scoped3A_91 : memref<!tpu.dma_semaphore, #tpu.memory_space<semaphore_mem>>)
      %dma_wait3A = arith.constant 0 : i32
      %dma_wait3A_96 = tpu.memref_slice %arg5[%arg0, %multiple_of3A, %dma_wait3A] : memref<2x10112x16xf32, #tpu.memory_space<hbm>> -> memref<1x632x16xf32, #tpu.memory_space<hbm>>
      %dma_wait3A_97 = tpu.memref_squeeze %dma_wait3A_96 : memref<1x632x16xf32, #tpu.memory_space<hbm>> -> memref<632x16xf32, #tpu.memory_space<hbm>>
      %dma_wait3A_98 = arith.constant 0 : i32
      %dma_wait3A_99 = tpu.memref_slice %arg12[%multiple_of3A, %dma_wait3A_98] : memref<10112x16xf32, #tpu.memory_space<vmem_shared>> -> memref<632x16xf32, #tpu.memory_space<vmem_shared>>
      tpu.wait_dma2 semaphore(%run_scoped3A_91 : memref<!tpu.dma_semaphore, #tpu.memory_space<semaphore_mem>>) src(%dma_wait3A_99 : memref<632x16xf32, #tpu.memory_space<vmem_shared>>) dst(%dma_wait3A_97 : memref<632x16xf32, #tpu.memory_space<hbm>>)
      tpu.yield
    }) : () -> ()
    return
  }
}

module attributes {stable_mosaic.version = 14 : i64} {
  func.func @_tc_body(%arg0: i32, %arg1: memref<2x64x128xf32, #tpu.memory_space<vmem>>, %arg2: memref<2x64x128xf32, #tpu.memory_space<vmem>>, %arg3: memref<512x256xf32, #tpu.memory_space<vmem>>, %arg4: memref<400x256xf32, #tpu.memory_space<vmem>>, %arg5: memref<128x256xf32, #tpu.memory_space<vmem>>, %arg6: memref<1x128xf32, #tpu.memory_space<vmem>>, %arg7: memref<1x256xf32, #tpu.memory_space<vmem>>, %arg8: memref<512x256xf32, #tpu.memory_space<vmem>>) attributes {dimension_semantics = [#tpu.dimension_semantics<arbitrary>], iteration_bounds = array<i64: 20>, scalar_prefetch = 0 : i64, scratch_operands = 0 : i64, tpu.core_type = #tpu.core_type<tc>, window_params = [{transform_indices = @transform_0, window_bounds = array<i64: 2, 64, 128>}, {transform_indices = @transform_1, window_bounds = array<i64: 2, 64, 128>}, {transform_indices = @transform_2, window_bounds = array<i64: 512, 256>}, {pipeline_mode = #tpu.pipeline_mode<synchronous>, transform_indices = @transform_3, window_bounds = array<i64: 400, 256>}, {pipeline_mode = #tpu.pipeline_mode<synchronous>, transform_indices = @transform_4, window_bounds = array<i64: 128, 256>}, {pipeline_mode = #tpu.pipeline_mode<synchronous>, transform_indices = @transform_5, window_bounds = array<i64: 1, 128>}, {pipeline_mode = #tpu.pipeline_mode<synchronous>, transform_indices = @transform_6, window_bounds = array<i64: 1, 256>}, {transform_indices = @transform_7, window_bounds = array<i64: 512, 256>}]} {
    %get3A = arith.constant 0 : index
    %get3A_0 = arith.constant 0 : index
    %get3A_1 = arith.constant 0 : index
    %get3A_2 = vector.load %arg1[%get3A, %get3A_0, %get3A_1] : memref<2x64x128xf32, #tpu.memory_space<vmem>>, vector<1x64x128xf32>
    %get3A_3 = vector.shape_cast %get3A_2 : vector<1x64x128xf32> to vector<64x128xf32>
    %get3A_4 = arith.constant 1 : index
    %get3A_5 = arith.constant 0 : index
    %get3A_6 = arith.constant 0 : index
    %get3A_7 = vector.load %arg1[%get3A_4, %get3A_5, %get3A_6] : memref<2x64x128xf32, #tpu.memory_space<vmem>>, vector<1x64x128xf32>
    %get3A_8 = vector.shape_cast %get3A_7 : vector<1x64x128xf32> to vector<64x128xf32>
    %add3A = arith.addf %get3A_3, %get3A_8 : vector<64x128xf32>
    %get3A_9 = arith.constant 0 : index
    %get3A_10 = arith.constant 0 : index
    %get3A_11 = arith.constant 0 : index
    %get3A_12 = vector.load %arg2[%get3A_9, %get3A_10, %get3A_11] : memref<2x64x128xf32, #tpu.memory_space<vmem>>, vector<1x64x128xf32>
    %get3A_13 = vector.shape_cast %get3A_12 : vector<1x64x128xf32> to vector<64x128xf32>
    %get3A_14 = arith.constant 1 : index
    %get3A_15 = arith.constant 0 : index
    %get3A_16 = arith.constant 0 : index
    %get3A_17 = vector.load %arg2[%get3A_14, %get3A_15, %get3A_16] : memref<2x64x128xf32, #tpu.memory_space<vmem>>, vector<1x64x128xf32>
    %get3A_18 = vector.shape_cast %get3A_17 : vector<1x64x128xf32> to vector<64x128xf32>
    %add3A_19 = arith.addf %get3A_13, %get3A_18 : vector<64x128xf32>
    %max3A = arith.constant 1.000000e+00 : f32
    %max3A_20 = vector.broadcast %max3A : f32 to vector<64x128xf32>
    %max3A_21 = arith.maximumf %add3A_19, %max3A_20 : vector<64x128xf32>
    %div3A = arith.divf %add3A, %max3A_21 : vector<64x128xf32>
    %iota3A = tpu.iota {dimensions = array<i32: 0>} : vector<512x64xi32>
    %jit3A = arith.constant 8 : i32
    %div3A_22 = vector.broadcast %jit3A : i32 to vector<512x64xi32>
    %div3A_23 = arith.divsi %iota3A, %div3A_22 : vector<512x64xi32>
    %sign3A = arith.constant 0 : i32
    %sign3A_24 = vector.broadcast %sign3A : i32 to vector<512x64xi32>
    %sign3A_25 = arith.cmpi sgt, %iota3A, %sign3A_24 : vector<512x64xi32>
    %sign3A_26 = arith.extui %sign3A_25 : vector<512x64xi1> to vector<512x64xi32>
    %sign3A_27 = arith.constant 0 : i32
    %sign3A_28 = vector.broadcast %sign3A_27 : i32 to vector<512x64xi32>
    %sign3A_29 = arith.cmpi slt, %iota3A, %sign3A_28 : vector<512x64xi32>
    %sign3A_30 = arith.extui %sign3A_29 : vector<512x64xi1> to vector<512x64xi32>
    %sign3A_31 = arith.subi %sign3A_26, %sign3A_30 : vector<512x64xi32>
    %sign3A_32 = arith.constant 0 : i32
    %sign3A_33 = arith.cmpi sgt, %jit3A, %sign3A_32 : i32
    %sign3A_34 = arith.extui %sign3A_33 : i1 to i32
    %sign3A_35 = arith.constant 0 : i32
    %sign3A_36 = arith.cmpi slt, %jit3A, %sign3A_35 : i32
    %sign3A_37 = arith.extui %sign3A_36 : i1 to i32
    %sign3A_38 = arith.subi %sign3A_34, %sign3A_37 : i32
    %ne3A = vector.broadcast %sign3A_38 : i32 to vector<512x64xi32>
    %ne3A_39 = arith.cmpi ne, %sign3A_31, %ne3A : vector<512x64xi32>
    %rem3A = vector.broadcast %jit3A : i32 to vector<512x64xi32>
    %rem3A_40 = arith.remsi %iota3A, %rem3A : vector<512x64xi32>
    %ne3A_41 = arith.constant 0 : i32
    %ne3A_42 = vector.broadcast %ne3A_41 : i32 to vector<512x64xi32>
    %ne3A_43 = arith.cmpi ne, %rem3A_40, %ne3A_42 : vector<512x64xi32>
    %and3A = arith.andi %ne3A_39, %ne3A_43 : vector<512x64xi1>
    %sub3A = arith.constant 1 : i32
    %sub3A_44 = vector.broadcast %sub3A : i32 to vector<512x64xi32>
    %sub3A_45 = arith.subi %div3A_23, %sub3A_44 : vector<512x64xi32>
    %select_n3A = arith.select %and3A, %sub3A_45, %div3A_23 : vector<512x64xi1>, vector<512x64xi32>
    %iota3A_46 = tpu.iota {dimensions = array<i32: 1>} : vector<512x64xi32>
    %eq3A = arith.cmpi eq, %select_n3A, %iota3A_46 : vector<512x64xi32>
    %convert_element_type3A = arith.extui %eq3A : vector<512x64xi1> to vector<512x64xi32>
    %convert_element_type3A_47 = arith.sitofp %convert_element_type3A : vector<512x64xi32> to vector<512x64xf32>
    %dot_general3A = arith.constant dense<0.000000e+00> : vector<512x128xf32>
    %dot_general3A_48 = tpu.matmul %convert_element_type3A_47, %div3A, %dot_general3A {dimension_numbers = #tpu.dot_dimension_numbers<[1], [0], [0], [1], [0, 0, 1, 1], [], []>, transpose_lhs_hint = false} : vector<512x64xf32>, vector<64x128xf32>, vector<512x128xf32> -> vector<512x128xf32>
    %iota3A_49 = tpu.iota {dimensions = array<i32: 1>} : vector<512x128xi32>
    %jit3A_50 = arith.constant 16 : i32
    %div3A_51 = vector.broadcast %jit3A_50 : i32 to vector<512x128xi32>
    %div3A_52 = arith.divsi %iota3A_49, %div3A_51 : vector<512x128xi32>
    %sign3A_53 = arith.constant 0 : i32
    %sign3A_54 = vector.broadcast %sign3A_53 : i32 to vector<512x128xi32>
    %sign3A_55 = arith.cmpi sgt, %iota3A_49, %sign3A_54 : vector<512x128xi32>
    %sign3A_56 = arith.extui %sign3A_55 : vector<512x128xi1> to vector<512x128xi32>
    %sign3A_57 = arith.constant 0 : i32
    %sign3A_58 = vector.broadcast %sign3A_57 : i32 to vector<512x128xi32>
    %sign3A_59 = arith.cmpi slt, %iota3A_49, %sign3A_58 : vector<512x128xi32>
    %sign3A_60 = arith.extui %sign3A_59 : vector<512x128xi1> to vector<512x128xi32>
    %sign3A_61 = arith.subi %sign3A_56, %sign3A_60 : vector<512x128xi32>
    %sign3A_62 = arith.constant 0 : i32
    %sign3A_63 = arith.cmpi sgt, %jit3A_50, %sign3A_62 : i32
    %sign3A_64 = arith.extui %sign3A_63 : i1 to i32
    %sign3A_65 = arith.constant 0 : i32
    %sign3A_66 = arith.cmpi slt, %jit3A_50, %sign3A_65 : i32
    %sign3A_67 = arith.extui %sign3A_66 : i1 to i32
    %sign3A_68 = arith.subi %sign3A_64, %sign3A_67 : i32
    %ne3A_69 = vector.broadcast %sign3A_68 : i32 to vector<512x128xi32>
    %ne3A_70 = arith.cmpi ne, %sign3A_61, %ne3A_69 : vector<512x128xi32>
    %rem3A_71 = vector.broadcast %jit3A_50 : i32 to vector<512x128xi32>
    %rem3A_72 = arith.remsi %iota3A_49, %rem3A_71 : vector<512x128xi32>
    %ne3A_73 = arith.constant 0 : i32
    %ne3A_74 = vector.broadcast %ne3A_73 : i32 to vector<512x128xi32>
    %ne3A_75 = arith.cmpi ne, %rem3A_72, %ne3A_74 : vector<512x128xi32>
    %and3A_76 = arith.andi %ne3A_70, %ne3A_75 : vector<512x128xi1>
    %sub3A_77 = arith.constant 1 : i32
    %sub3A_78 = vector.broadcast %sub3A_77 : i32 to vector<512x128xi32>
    %sub3A_79 = arith.subi %div3A_52, %sub3A_78 : vector<512x128xi32>
    %select_n3A_80 = arith.select %and3A_76, %sub3A_79, %div3A_52 : vector<512x128xi1>, vector<512x128xi32>
    %iota3A_81 = tpu.iota {dimensions = array<i32: 0>} : vector<512x128xi32>
    %jit3A_82 = arith.constant 8 : i32
    %eq3A_83 = arith.constant 0 : i32
    %eq3A_84 = arith.cmpi eq, %jit3A_82, %eq3A_83 : i32
    %jit3A_85 = arith.constant 1 : i32
    %select_n3A_86 = arith.select %eq3A_84, %jit3A_85, %jit3A_82 : i32
    %rem3A_87 = vector.broadcast %select_n3A_86 : i32 to vector<512x128xi32>
    %rem3A_88 = arith.remsi %iota3A_81, %rem3A_87 : vector<512x128xi32>
    %ne3A_89 = arith.constant 0 : i32
    %ne3A_90 = vector.broadcast %ne3A_89 : i32 to vector<512x128xi32>
    %ne3A_91 = arith.cmpi ne, %rem3A_88, %ne3A_90 : vector<512x128xi32>
    %lt3A = arith.constant 0 : i32
    %lt3A_92 = vector.broadcast %lt3A : i32 to vector<512x128xi32>
    %lt3A_93 = arith.cmpi slt, %rem3A_88, %lt3A_92 : vector<512x128xi32>
    %lt3A_94 = arith.constant 0 : i32
    %lt3A_95 = arith.cmpi slt, %select_n3A_86, %lt3A_94 : i32
    %ne3A_96 = vector.broadcast %lt3A_95 : i1 to vector<512x128xi1>
    %ne3A_97 = vector.broadcast %ne3A_96 : vector<512x128xi1> to vector<512x128xi1>
    %ne3A_98 = arith.xori %lt3A_93, %ne3A_97 : vector<512x128xi1>
    %and3A_99 = arith.andi %ne3A_98, %ne3A_91 : vector<512x128xi1>
    %add3A_100 = vector.broadcast %select_n3A_86 : i32 to vector<512x128xi32>
    %add3A_101 = arith.addi %rem3A_88, %add3A_100 : vector<512x128xi32>
    %select_n3A_102 = arith.select %and3A_99, %add3A_101, %rem3A_88 : vector<512x128xi1>, vector<512x128xi32>
    %eq3A_103 = arith.cmpi eq, %select_n3A_80, %select_n3A_102 : vector<512x128xi32>
    %convert_element_type3A_104 = arith.extui %eq3A_103 : vector<512x128xi1> to vector<512x128xi32>
    %convert_element_type3A_105 = arith.sitofp %convert_element_type3A_104 : vector<512x128xi32> to vector<512x128xf32>
    %mul3A = arith.mulf %dot_general3A_48, %convert_element_type3A_105 : vector<512x128xf32>
    %get3A_106 = arith.constant 16 : index
    %get3A_107 = arith.constant 0 : index
    %get3A_108 = vector.load %arg4[%get3A_106, %get3A_107] : memref<400x256xf32, #tpu.memory_space<vmem>>, vector<256x256xf32>
    %get3A_109 = arith.constant 272 : index
    %get3A_110 = arith.constant 0 : index
    %get3A_111 = vector.load %arg4[%get3A_109, %get3A_110] : memref<400x256xf32, #tpu.memory_space<vmem>>, vector<128x256xf32>
    %get3A_112 = arith.constant 0 : index
    %get3A_113 = arith.constant 0 : index
    %get3A_114 = vector.load %arg3[%get3A_112, %get3A_113] : memref<512x256xf32, #tpu.memory_space<vmem>>, vector<512x256xf32>
    %dot_general3A_115 = arith.constant dense<0.000000e+00> : vector<512x256xf32>
    %dot_general3A_116 = tpu.matmul %get3A_114, %get3A_108, %dot_general3A_115 {dimension_numbers = #tpu.dot_dimension_numbers<[1], [0], [0], [1], [0, 0, 1, 1], [], []>, transpose_lhs_hint = false} : vector<512x256xf32>, vector<256x256xf32>, vector<512x256xf32> -> vector<512x256xf32>
    %get3A_117 = arith.constant 0 : index
    %get3A_118 = arith.constant 0 : index
    %get3A_119 = vector.load %arg5[%get3A_117, %get3A_118] : memref<128x256xf32, #tpu.memory_space<vmem>>, vector<128x256xf32>
    %dot_general3A_120 = arith.constant dense<0.000000e+00> : vector<512x256xf32>
    %dot_general3A_121 = tpu.matmul %mul3A, %get3A_119, %dot_general3A_120 {dimension_numbers = #tpu.dot_dimension_numbers<[1], [0], [0], [1], [0, 0, 1, 1], [], []>, transpose_lhs_hint = false} : vector<512x128xf32>, vector<128x256xf32>, vector<512x256xf32> -> vector<512x256xf32>
    %add3A_122 = arith.addf %dot_general3A_116, %dot_general3A_121 : vector<512x256xf32>
    %get3A_123 = arith.constant 0 : index
    %get3A_124 = arith.constant 0 : index
    %get3A_125 = vector.load %arg6[%get3A_123, %get3A_124] : memref<1x128xf32, #tpu.memory_space<vmem>>, vector<1x128xf32>
    %dot_general3A_126 = arith.constant dense<0.000000e+00> : vector<1x256xf32>
    %dot_general3A_127 = tpu.matmul %get3A_125, %get3A_111, %dot_general3A_126 {dimension_numbers = #tpu.dot_dimension_numbers<[1], [0], [0], [1], [0, 0, 1, 1], [], []>, transpose_lhs_hint = false} : vector<1x128xf32>, vector<128x256xf32>, vector<1x256xf32> -> vector<1x256xf32>
    %add3A_128 = vector.broadcast %dot_general3A_127 : vector<1x256xf32> to vector<512x256xf32>
    %add3A_129 = arith.addf %add3A_122, %add3A_128 : vector<512x256xf32>
    %get3A_130 = arith.constant 0 : index
    %get3A_131 = arith.constant 0 : index
    %get3A_132 = vector.load %arg7[%get3A_130, %get3A_131] : memref<1x256xf32, #tpu.memory_space<vmem>>, vector<1x256xf32>
    %add3A_133 = vector.broadcast %get3A_132 : vector<1x256xf32> to vector<512x256xf32>
    %add3A_134 = arith.addf %add3A_129, %add3A_133 : vector<512x256xf32>
    %swap3A = arith.constant 0 : index
    %swap3A_135 = arith.constant 0 : index
    %swap3A_136 = vector.load %arg8[%swap3A, %swap3A_135] : memref<512x256xf32, #tpu.memory_space<vmem>>, vector<512x256xf32>
    tpu.vector_store %arg8[%swap3A, %swap3A_135], %add3A_134 {strides = array<i32>} : memref<512x256xf32, #tpu.memory_space<vmem>>, vector<512x256xf32>,
    return
  }
  func.func @transform_0(%arg0: i32) -> (i32, i32, i32) {
    %c0_i32 = arith.constant 0 : i32
    %c0_i32_0 = arith.constant 0 : i32
    %c0_i32_1 = arith.constant 0 : i32
    return %c0_i32, %arg0, %c0_i32_0 : i32, i32, i32
  }
  func.func @transform_1(%arg0: i32) -> (i32, i32, i32) {
    %c0_i32 = arith.constant 0 : i32
    %c0_i32_0 = arith.constant 0 : i32
    %c0_i32_1 = arith.constant 0 : i32
    return %c0_i32, %arg0, %c0_i32_0 : i32, i32, i32
  }
  func.func @transform_2(%arg0: i32) -> (i32, i32) {
    %c0_i32 = arith.constant 0 : i32
    %c0_i32_0 = arith.constant 0 : i32
    return %arg0, %c0_i32 : i32, i32
  }
  func.func @transform_3(%arg0: i32) -> (i32, i32) {
    %c0_i32 = arith.constant 0 : i32
    %c0_i32_0 = arith.constant 0 : i32
    %c0_i32_1 = arith.constant 0 : i32
    return %c0_i32, %c0_i32_0 : i32, i32
  }
  func.func @transform_4(%arg0: i32) -> (i32, i32) {
    %c0_i32 = arith.constant 0 : i32
    %c0_i32_0 = arith.constant 0 : i32
    %c0_i32_1 = arith.constant 0 : i32
    return %c0_i32, %c0_i32_0 : i32, i32
  }
  func.func @transform_5(%arg0: i32) -> (i32, i32) {
    %c0_i32 = arith.constant 0 : i32
    %c0_i32_0 = arith.constant 0 : i32
    %c0_i32_1 = arith.constant 0 : i32
    return %c0_i32, %c0_i32_0 : i32, i32
  }
  func.func @transform_6(%arg0: i32) -> (i32, i32) {
    %c0_i32 = arith.constant 0 : i32
    %c0_i32_0 = arith.constant 0 : i32
    %c0_i32_1 = arith.constant 0 : i32
    return %c0_i32, %c0_i32_0 : i32, i32
  }
  func.func @transform_7(%arg0: i32) -> (i32, i32) {
    %c0_i32 = arith.constant 0 : i32
    %c0_i32_0 = arith.constant 0 : i32
    return %arg0, %c0_i32 : i32, i32
  }
}

</mosaic_0001>

<sc_bundles>
// kernel: kernel.4.cloned.1.call-start
scs
__scs_entry_jumppad:
0x0: {  	(pc) =	sbr.rel $0x88, $3  }
0x1: {  	(tag) =	ssettag $0x0;
	lr =	simm.s32 $0x1  }
0x2: {  	[smem:$0x3F9B] =	sst lr;
	_ =	strace $0xD0000000  }
0x3: {  	_ = 	snop  }
0x4: {  	_ = 	snop  }
0x5: {  	_ = 	snop  }
0x6: {  	_ = 	snop  }
0x7: {  	_ = 	snop  }
__scs_overlays_trampoline_lowered:
0x8: {  	[smem:$0x3FAA] =	sst s0  }
0x9: {  	[smem:$0x3FAB] =	sst s1  }
0xa: {  	[smem:$0x3FAC] =	sst s2  }
0xb: {  	[smem:$0x3FAD] =	sst s3  }
0xc: {  	[smem:$0x3FAE] =	sst s4  }
0xd: {  	[smem:$0x3FAF] =	sst s5  }
0xe: {  	[smem:$0x3FB0] =	sst s6  }
0xf: {  	[smem:$0x3FB1] =	sst s7  }
0x10: {  	[smem:$0x3FB2] =	sst s8  }
0x11: {  	[smem:$0x3FB3] =	sst s9;
	s0 =	simm.s32 @!p0 $0x0  }
0x12: {  	s1 =	sld [smem:$0x3F99];
	s0 =	simm.s32 @p0 $0x1  }
0x13: {  	[smem:$0x3FB4] =	sst s0;
	s0 =	simm.s32 @!p1 $0x0  }
0x14: {  	s2 =	sld [smem:$0x3F98];
	s0 =	simm.s32 @p1 $0x1  }
0x15: {  	[smem:$0x3FB5] =	sst s0;
	s0 =	simm.s32 @!p2 $0x0  }
0x16: {  	s3 =	sld [smem:$0x3FDB];
	s0 =	simm.s32 @p2 $0x1  }
0x17: {  	s4 =	simm.s32 $0x1BF5;
	[smem:$0x3FB7] =	sst s0  }
0x18: {  	s0 =	sld [smem:$0x3F9A];
	_ =	swait.ge [sflag:s4], $0x0  }
0x19: {  	s7 =	sld [smem:$0x3F9B]  }
0x1a: {  	s8 =	sadd.s32 $0xFFFFE003, lr  }
0x1b: {  	s9 =	sadd.s32 $0xFFFFFEF7, lr;
	s5 =	simm.s32 $0xFFFFFFFF;
	p2 =	slt.u32 s8, $0xFFFFF086  }
0x1c: {  	p1 =	slt.u32 s9, $0xF7A;
	s5 =	simm.s32 @!p2 $0x0  }
0x1d: {  	s5 =	simm.s32 @p1 $0x1;
	p0 =	seq.s32 s7, s2  }
0x1e: {  	s7 =	smul.u32 @!p0 $0xF7A, s2;
	p2 =	seq.s32 @!p0 s5, $0x0  }
0x1f: {  	s9 =	smul.u32 $0xF7A, s1;
	s8 =	simm.s32 @!p0 $0x1BF5;
	p2 =	por !p2, p0  }
0x20: {  	[sflag:s8] =	ssyncset.s32 @!p0 $0xFFFFF086;
	s6 =	sadd.s32 @!p0 s3, s7;
	s7 =	simm.s32 @!p0 $0x108  }
0x21: {  	s3 =	sadd.s32 s3, s9;
	s6 =	sadd.s32 @!p0 $0x88, s6;
	s7 =	simm.s32 @p2 $0x1082  }
0x22: {  	[simem:s7], [sflag:s8] =	dma.local @!p0 [hbm:s6], $0xF7A  }
0x23: {  	s9 =	sor.u32 $0xD0000000, s2;
	s6 =	simm.s32 $0x108;
	_ =	swait.ge @!p0 [sflag:s8], $0x0  }
0x24: {  	s3 =	sadd.s32 $0x88, s3;
	s6 =	simm.s32 @!p1 $0x1082;
	[sflag:s4] =	ssyncset.s32 $0xFFFFF086  }
0x25: {  	[simem:s6], [sflag:s4] =	dma.local [hbm:s3], $0xF7A  }
0x26: {  	[smem:$0x3F9B] =	sst s1;
	(tag) =	ssettag s2;
	_ =	strace s9  }
0x27: {  	s1 =	sld [smem:$0x3FAB]  }
0x28: {  	s2 =	sld [smem:$0x3FAC]  }
0x29: {  	s4 =	sld [smem:$0x3FAE]  }
0x2a: {  	p0 =	seq.s32 s5, $0x0;
	s5 =	sld [smem:$0x3FAF]  }
0x2b: {  	s6 =	sld [smem:$0x3FB0]  }
0x2c: {  	s7 =	sld [smem:$0x3FB1]  }
0x2d: {  	s3 =	simm.s32 $0x108;
	s8 =	sld [smem:$0x3FB2]  }
0x2e: {  	s3 =	simm.s32 @!p0 $0x1082;
	s9 =	sld [smem:$0x3FB3]  }
0x2f: {  	lr =	sadd.s32 s0, s3;
	s0 =	sld [smem:$0x3FAA]  }
0x30: {  	s3 =	sld [smem:$0x3FAD]  }
0x31: {  	[smem:$0x3FB6] =	sst s10  }
0x32: {  	s10 =	sld [smem:$0x3FB4];
	_ =	sdelay $0x3  }
0x33: {  	p0 =	seq.s32 s10, $0x1;
	s10 =	sld [smem:$0x3FB6];
	_ =	sdelay $0x3  }
0x34: {  	[smem:$0x3FB6] =	sst s10  }
0x35: {  	s10 =	sld [smem:$0x3FB5];
	_ =	sdelay $0x3  }
0x36: {  	p1 =	seq.s32 s10, $0x1;
	s10 =	sld [smem:$0x3FB6];
	_ =	sdelay $0x3  }
0x37: {  	[smem:$0x3FB6] =	sst s10  }
0x38: {  	s10 =	sld [smem:$0x3FB7]  }
0x39: {  	_ = 	snop;
	(pc) =	sbr.ind lr, $3  }
0x3a: {  	_ = 	snop  }
0x3b: {  	_ = 	snop  }
0x3c: {  	p2 =	seq.s32 s10, $0x1;
	s10 =	sld [smem:$0x3FB6]  }
0x3d: {  	_ =	shalt  }
0x3e: {  	_ =	shalt  }
0x3f: {  	_ =	shalt  }
0x40: {  	_ =	shalt  }
0x41: {  	_ =	shalt  }
0x42: {  	_ =	shalt  }
0x43: {  	_ =	shalt  }
0x44: {  	_ =	shalt  }
0x45: {  	_ =	shalt  }
0x46: {  	_ =	shalt  }
0x47: {  	_ =	shalt  }
0x48: {  	_ =	shalt  }
0x49: {  	_ =	shalt  }
0x4a: {  	_ =	shalt  }
0x4b: {  	_ =	shalt  }
0x4c: {  	_ =	shalt  }
0x4d: {  	_ =	shalt  }
0x4e: {  	_ =	shalt  }
0x4f: {  	_ =	shalt  }
0x50: {  	_ =	shalt  }
0x51: {  	_ =	shalt  }
0x52: {  	_ =	shalt  }
0x53: {  	_ =	shalt  }
0x54: {  	_ =	shalt  }
0x55: {  	_ =	shalt  }
0x56: {  	_ =	shalt  }
0x57: {  	_ =	shalt  }
0x58: {  	_ =	shalt  }
0x59: {  	_ =	shalt  }
0x5a: {  	_ =	shalt  }
0x5b: {  	_ =	shalt  }
0x5c: {  	_ =	shalt  }
0x5d: {  	_ =	shalt  }
0x5e: {  	_ =	shalt  }
0x5f: {  	_ =	shalt  }
0x60: {  	_ =	shalt  }
0x61: {  	_ =	shalt  }
0x62: {  	_ =	shalt  }
0x63: {  	_ =	shalt  }
0x64: {  	_ =	shalt  }
0x65: {  	_ =	shalt  }
0x66: {  	_ =	shalt  }
0x67: {  	_ =	shalt  }
0x68: {  	_ =	shalt  }
0x69: {  	_ =	shalt  }
0x6a: {  	_ =	shalt  }
0x6b: {  	_ =	shalt  }
0x6c: {  	_ =	shalt  }
0x6d: {  	_ =	shalt  }
0x6e: {  	_ =	shalt  }
0x6f: {  	_ =	shalt  }
0x70: {  	_ =	shalt  }
0x71: {  	_ =	shalt  }
0x72: {  	_ =	shalt  }
0x73: {  	_ =	shalt  }
0x74: {  	_ =	shalt  }
0x75: {  	_ =	shalt  }
0x76: {  	_ =	shalt  }
0x77: {  	_ =	shalt  }
0x78: {  	_ =	shalt  }
0x79: {  	_ =	shalt  }
0x7a: {  	_ =	shalt  }
0x7b: {  	_ =	shalt  }
0x7c: {  	_ =	shalt  }
0x7d: {  	_ =	shalt  }
0x7e: {  	_ =	shalt  }
0x7f: {  	_ =	shalt  }
0x80: {  	_ =	shalt  }
0x81: {  	_ =	shalt  }
0x82: {  	_ =	shalt  }
0x83: {  	_ =	shalt  }
0x84: {  	_ =	shalt  }
0x85: {  	_ =	shalt  }
0x86: {  	_ =	shalt  }
0x87: {  	_ =	shalt  }
.Lfunc_end0:
.L_simem_size_0:
called_computation_lowered:
.L_overlay_start_0:
0x88: {  	s2 =	sld [smem:$0x3FD9]  }
0x89: {  	s3 =	sld [smem:$0x3FFE];
	_ =	sdelay $0x1  }
0x8a: {  	s1 =	srdreg.scid  }
0x8b: {  	s0 =	sand.u32 $0x1, s1  }
0x8c: {  	s17 =	sshll.u32 s0, $0xA;
	s2 =	sadd.s32 s3, s2  }
0x8d: {  	s2 =	sadd.s32 s2, s17  }
0x8e: {  	[smem:$0x3FC2] =	sst s2  }
0x8f: {  	_ = 	snop  }
0x90: {  	s2 =	sld [smem:$0x3FC7]  }
0x91: {  	s18 =	sld [smem:$0x3FD0];
	(tm) =	ssettm $0x1  }
0x92: {  	s4 =	sld [smem:$0x3FFB];
	_ =	sdelay $0x3  }
0x93: {  	_ =	strace s4  }
0x94: {  	s4 =	sld [smem:$0x3FFC];
	_ =	sdelay $0x3  }
0x95: {  	_ =	strace s4  }
0x96: {  	s4 =	sld [smem:$0x3FFD];
	_ =	sdelay $0x3  }
0x97: {  	_ =	strace s4  }
0x98: {  	_ =	strace $0x8FFFFFFF  }
0x99: {  	s19 =	sld [smem:$0x3FDB];
	_ =	sdelay $0x1  }
0x9a: {  	s5 =	simm.s32 $_scs_section_size  }
0x9b: {  	s6 =	simm.s32 $_size__tile_overlayer_lowered;
	s7 =	simm.s32 $_tile_overlayer_lowered  }
0x9c: {  	s22 =	simm.s32 $0x1BFF;
	s21 =	sshll.u32 s7, $0x1;
	s4 =	sadd.s32 s5, s19  }
0x9d: {  	s8 =	simm.s32 $0x0;
	s20 =	sshll.u32 s6, $0x1;
	s6 =	sadd.s32 s21, s4  }
0x9e: {  	[timem:s8], [sflag:s22] =	dma.local [hbm:s6], s20  }
0x9f: {  	_ =	swait.ge [sflag:s22], s20  }
0xa0: {  	s5 =	ssub.s32 $0x0, s20;
	[sflag:s22] =	ssyncset.done $0x0  }
0xa1: {  	[sflag:s22] =	ssyncadd.s32 s5;
	_ =	sdelay $0x1  }
0xa2: {  	s23 =	simm.s32 $0x1B8B  }
0xa3: {  	_ =	swait.ge [sflag:s23], $0x1  }
0xa4: {  	[sflag:s23] =	ssyncset.done $0x0  }
0xa5: {  	s25 =	simm.s32 $0x1B8E;
	s24 =	sld [smem:$0x3FFE];
	[sflag:s23] =	ssyncadd.s32 $0xFFFFFFFF  }
0xa6: {  	s26 =	simm.s32 $execute0_lowered;
	[smem:$0x3FD2] =	sst s25  }
0xa7: {  	s6 =	sshll.u32 s26, $0x1;
	_ =	strace $0x80000046;
	[dreg:$0x1] =	wrdreg $0xFFFFFFFF  }
0xa8: {  	s28 =	simm.s32 $_size_execute0_lowered;
	s4 =	sadd.s32 s4, s6;
	[dreg:$0x0] =	wrdreg $0x0  }
0xa9: {  	s6 =	sshll.u32 s28, $0x1;
	[dreg:$0x2] =	wrdreg s4  }
0xaa: {  	[dreg:$0x3] =	wrdreg s6  }
0xab: {  	[dreg:$0x4] =	wrdreg $0xC0  }
0xac: {  	_ =	task [dreg:s8], $0x5FFFF  }
0xad: {  	[dreg:$0x1] =	wrdreg $0xFFFFFFFF  }
0xae: {  	[dreg:$0x0] =	wrdreg $0x60  }
0xaf: {  	[dreg:$0x2] =	wrdreg s24  }
0xb0: {  	[dreg:$0x3] =	wrdreg s2  }
0xb1: {  	[dreg:$0x4] =	wrdreg s18  }
0xb2: {  	[dreg:$0x5] =	wrdreg $0x1A3C00  }
0xb3: {  	[dreg:$0x6] =	wrdreg $0x1CB400  }
0xb4: {  	[dreg:$0x7] =	wrdreg $0x9  }
0xb5: {  	_ =	task.clear_ibuf [dreg:s8], $0x8FFFF;
	_ =	strace $0x90000046  }
0xb6: {  	s29 =	simm.s32 $0x9;
	_ =	strace $0x80000048  }
0xb7: {  	_ =	swait.ge [sflag:s29], $0x1  }
0xb8: {  	[sflag:s29] =	ssyncadd.s32 $0xFFFFFFFF  }
0xb9: {  	_ =	strace $0x90000048  }
0xba: {  	_ =	sfence  }
0xbb: {  	s30 =	sld [smem:$0x0];
	_ =	sdelay $0x2  }
0xbc: {  	s31 =	sshll.u32 s1, $0xD;
	s1 =	sshrl.u32 s1, $0x2  }
0xbd: {  	s3 =	sand.u32 $0x4000, s31;
	s1 =	sadd.s32 s1, s30  }
0xbe: {  	s0 =	sor.u32 s3, s0;
	s1 =	sshll.u32 s1, $0x11  }
0xbf: {  	s0 =	sor.u32 s1, s0  }
0xc0: {  	s0 =	sadd.s32 $0x8F2B, s0  }
0xc1: {  	[sflag:s0] =	ssyncadd.remote.s32 $0x1  }
0xc2: {  	_ =	sfence.sel $0xFFFF  }
0xc3: {  	[dreg:$0x0] =	wrdreg $0xFFFFFFFF;
	(pc) =	sbr.abs _section_cstart, $3  }
0xc4: {  	[dreg:$0x1] =	wrdreg $0xFFFFFFFF  }
0xc5: {  	_ =	task.clear_ibuf [dreg:s8], $0x2FFFF;
	_ =	strace $0x9FFFFFFF  }
0xc6: {  	(tm) =	ssettm $0x7FFFFFFF  }
0xc7: {  	_ =	shalt  }
tec
execute0_lowered:
.L_overlay_start_1:
0x0: {  	(tag) =	ssettag $0x1  }
0x1: {  	v0 =	vimm.f32 $1.000000000e+00;
	v1 =	vimm.f32 $0.0e+00;
	vm13 =	vcmask $0x300  }
0x2: {  	v2 =	vimm.s32 $0x0;
	v3 =	vimm.s32 $0xB1F8;
	v4 =	vimm.s32 $0xB1F9  }
0x3: {  	vm14 =	vcmask $0x704;
	vm12 =	vcmask $0xB08;
	vm11 =	vcmask $0xF0C  }
0x4: {  	vm10 =	vcmask $0x1310;
	vm9 =	vcmask $0x1714;
	vm8 =	vcmask $0x1B18  }
0x5: {  	vm7 =	vcmask $0x1F1C;
	vm6 =	vcmask $0x2320;
	vm5 =	vcmask $0x2724  }
0x6: {  	vm4 =	vcmask $0x2B28;
	vm3 =	vcmask $0x2F2C;
	vm2 =	vcmask $0x3330  }
0x7: {  	vm1 =	vcmask $0x3734;
	vm0 =	vcmask $0x3B38;
	v5 =	vimm.s32 $0xB1FA  }
0x8: {  	v6 =	vimm.s32 $0xB1FB;
	v7 =	vimm.s32 $0xB1FC;
	v8 =	vimm.s32 $0xB1FD  }
0x9: {  	v9 =	vimm.s32 $0xB1FE;
	v10 =	vimm.s32 $0xB1FF;
	v3 =	vsel vm13, $0x0, v3  }
0xa: {  	v4 =	vsel vm13, $0x1, v4;
	v2 =	vsel vm13, $0x3, v2;
	v5 =	vsel vm13, $0x2, v5  }
0xb: {  	v6 =	vsel vm13, $0x3, v6;
	v7 =	vsel vm13, $0x4, v7;
	v8 =	vsel vm13, $0x5, v8  }
0xc: {  	v9 =	vsel vm13, $0x6, v9;
	v10 =	vsel vm13, $0x7, v10;
	v3 =	vsel vm14, $0x88, v3  }
0xd: {  	v4 =	vsel vm14, $0x89, v4;
	v5 =	vsel vm14, $0x8A, v5;
	v6 =	vsel vm14, $0x8B, v6  }
0xe: {  	v7 =	vsel vm14, $0x8C, v7;
	v8 =	vsel vm14, $0x8D, v8;
	v9 =	vsel vm14, $0x8E, v9  }
0xf: {  	v10 =	vsel vm14, $0x8F, v10;
	v3 =	vsel vm12, $0x110, v3;
	v4 =	vsel vm12, $0x111, v4  }
0x10: {  	v5 =	vsel vm12, $0x112, v5;
	v6 =	vsel vm12, $0x113, v6;
	v7 =	vsel vm12, $0x114, v7  }
0x11: {  	v8 =	vsel vm12, $0x115, v8;
	v9 =	vsel vm12, $0x116, v9;
	v10 =	vsel vm12, $0x117, v10  }
0x12: {  	v3 =	vsel vm11, $0x198, v3;
	v4 =	vsel vm11, $0x199, v4;
	v5 =	vsel vm11, $0x19A, v5  }
0x13: {  	v6 =	vsel vm11, $0x19B, v6;
	v7 =	vsel vm11, $0x19C, v7;
	v8 =	vsel vm11, $0x19D, v8  }
0x14: {  	v9 =	vsel vm11, $0x19E, v9;
	v10 =	vsel vm11, $0x19F, v10;
	v3 =	vsel vm10, $0x220, v3  }
0x15: {  	v4 =	vsel vm10, $0x221, v4;
	v5 =	vsel vm10, $0x222, v5;
	v6 =	vsel vm10, $0x223, v6  }
0x16: {  	v7 =	vsel vm10, $0x224, v7;
	v8 =	vsel vm10, $0x225, v8;
	v9 =	vsel vm10, $0x226, v9  }
0x17: {  	v10 =	vsel vm10, $0x227, v10;
	v3 =	vsel vm9, $0x2A8, v3;
	v4 =	vsel vm9, $0x2A9, v4  }
0x18: {  	v5 =	vsel vm9, $0x2AA, v5;
	v6 =	vsel vm9, $0x2AB, v6;
	v7 =	vsel vm9, $0x2AC, v7  }
0x19: {  	v8 =	vsel vm9, $0x2AD, v8;
	v9 =	vsel vm9, $0x2AE, v9;
	v10 =	vsel vm9, $0x2AF, v10  }
0x1a: {  	v3 =	vsel vm8, $0x330, v3;
	v4 =	vsel vm8, $0x331, v4;
	v5 =	vsel vm8, $0x332, v5  }
0x1b: {  	v6 =	vsel vm8, $0x333, v6;
	v7 =	vsel vm8, $0x334, v7;
	v8 =	vsel vm8, $0x335, v8  }
0x1c: {  	v9 =	vsel vm8, $0x336, v9;
	v10 =	vsel vm8, $0x337, v10;
	v3 =	vsel vm7, $0x3B8, v3  }
0x1d: {  	v4 =	vsel vm7, $0x3B9, v4;
	v5 =	vsel vm7, $0x3BA, v5;
	v6 =	vsel vm7, $0x3BB, v6  }
0x1e: {  	v7 =	vsel vm7, $0x3BC, v7;
	v8 =	vsel vm7, $0x3BD, v8;
	v9 =	vsel vm7, $0x3BE, v9  }
0x1f: {  	s5 =	rddreg [dreg:$0x0];
	v10 =	vsel vm7, $0x3BF, v10;
	v3 =	vsel vm6, $0xAE40, v3;
	v4 =	vsel vm6, $0xAE41, v4  }
0x20: {  	s8 =	rddreg [dreg:$0x1];
	v5 =	vsel vm6, $0xAE42, v5;
	v6 =	vsel vm6, $0xAE43, v6;
	v7 =	vsel vm6, $0xAE44, v7  }
0x21: {  	s11 =	rddreg [dreg:$0x2];
	v8 =	vsel vm6, $0xAE45, v8;
	v9 =	vsel vm6, $0xAE46, v9;
	v10 =	vsel vm6, $0xAE47, v10  }
0x22: {  	s0 =	srdreg.scid;
	s1 =	rddreg [dreg:$0x3];
	v3 =	vsel vm5, $0xAEC8, v3;
	v4 =	vsel vm5, $0xAEC9, v4;
	v5 =	vsel vm5, $0xAECA, v5  }
0x23: {  	s3 =	rddreg [dreg:$0x4];
	s4 =	simm.s32 $0x0;
	s17 =	simm.s32 $0x100;
	v6 =	vsel vm5, $0xAECB, v6;
	v7 =	vsel vm5, $0xAECC, v7;
	v8 =	vsel vm5, $0xAECD, v8  }
0x24: {  	s18 =	simm.s32 $0x1400;
	s19 =	simm.s32 $0x16C40;
	s20 =	simm.s32 $0x17440;
	v9 =	vsel vm5, $0xAECE, v9;
	v10 =	vsel vm5, $0xAECF, v10;
	v3 =	vsel vm4, $0xAF50, v3  }
0x25: {  	s21 =	simm.s32 $0x1;
	s6 =	sand.u32 $0x1, s0;
	s0 =	stileid.u32;
	v4 =	vsel vm4, $0xAF51, v4;
	v5 =	vsel vm4, $0xAF52, v5;
	v6 =	vsel vm4, $0xAF53, v6  }
0x26: {  	s22 =	simm.s32 $0x2;
	s23 =	simm.s32 $0x0;
	s12 =	smul.u32 $0x2780, s0;
	v7 =	vsel vm4, $0xAF54, v7;
	v8 =	vsel vm4, $0xAF55, v8;
	v9 =	vsel vm4, $0xAF56, v9  }
0x27: {  	[smem:$0x7FF] =	sst s4;
	s2 =	sshll.u32 s6, $0x4;
	s29 =	smul.u32 $0x27800, s6;
	v10 =	vsel vm4, $0xAF57, v10;
	v3 =	vsel vm3, $0xAFD8, v3;
	v4 =	vsel vm3, $0xAFD9, v4  }
0x28: {  	s6 =	ssub.s32 $0x2, s6;
	s9 =	sor.u32 s0, s2;
	s2 =	rddreg [dreg:$0x5];
	v5 =	vsel vm3, $0xAFDA, v5;
	v6 =	vsel vm3, $0xAFDB, v6;
	v7 =	vsel vm3, $0xAFDC, v7  }
0x29: {  	_ =	strace $0x80000047;
	s30 =	sshrl.u32 s6, $0x1;
	s7 =	smul.u32 $0x27, s9;
	v8 =	vsel vm3, $0xAFDD, v8;
	v9 =	vsel vm3, $0xAFDE, v9;
	v10 =	vsel vm3, $0xAFDF, v10  }
0x2a: {  	s10 =	smax.u32 s9, $0x1E;
	s16 =	ssub.s32 s6, s30;
	s6 =	sadd.s32 s12, s3;
	v3 =	vsel vm2, $0xB060, v3;
	v4 =	vsel vm2, $0xB061, v4;
	v5 =	vsel vm2, $0xB062, v5  }
0x2b: {  	p0 =	sgt.u32 s9, $0x1D;
	s7 =	sadd.s32 s7, s10;
	s10 =	sadd.s32 s12, s29;
	v6 =	vsel vm2, $0xB063, v6;
	v7 =	vsel vm2, $0xB064, v7;
	v8 =	vsel vm2, $0xB065, v8  }
0x2c: {  	s9 =	simm.s32 $0x28;
	s13 =	sadd.s32 $0xFFFFFFE2, s7;
	s14 =	sshrl.u32 s10, $0x3;
	v9 =	vsel vm2, $0xB066, v9;
	v10 =	vsel vm2, $0xB067, v10;
	v3 =	vsel vm1, $0xB0E8, v3  }
0x2d: {  	s9 =	simm.s32 @!p0 $0x27;
	s7 =	sshll.u32 s13, $0x5;
	s15 =	sadd.s32 s14, s5;
	v4 =	vsel vm1, $0xB0E9, v4;
	v5 =	vsel vm1, $0xB0EA, v5;
	v6 =	vsel vm1, $0xB0EB, v6  }
0x2e: {  	s31 =	sshll.u32 s13, $0x7;
	s11 =	sadd.s32 s11, s14;
	s13 =	smax.u32 s16, $0x1;
	v7 =	vsel vm1, $0xB0EC, v7;
	v8 =	vsel vm1, $0xB0ED, v8;
	v9 =	vsel vm1, $0xB0EE, v9  }
0x2f: {  	s14 =	simm.s32 $0x17C40;
	s16 =	simm.s32 $0x80;
	s7 =	sadd.s32 s7, s5;
	v10 =	vsel vm1, $0xB0EF, v10;
	v3 =	vsel vm0, $0xB170, v3;
	v4 =	vsel vm0, $0xB171, v4  }
0x30: {  	s5 =	sadd.s32 s12, s1;
	s8 =	sadd.s32 s8, s31;
	s12 =	sadd.s32 $0xC000, s15;
	v5 =	vsel vm0, $0xB172, v5;
	v6 =	vsel vm0, $0xB173, v6;
	v7 =	vsel vm0, $0xB174, v7  }
0x31: {  	s15 =	simm.s32 $0x3;
	s7 =	sadd.s32 $0x2210, s7;
	s10 =	sadd.s32 $0x27100, s8;
	v8 =	vsel vm0, $0xB175, v8;
	v9 =	vsel vm0, $0xB176, v9;
	v10 =	vsel vm0, $0xB177, v10  }
.LBB2_1:
0x32: {  	s24 =	simm.s32 $0x0  }
.LBB2_2:
0x33: {  	p0 =	sne.s32 s24, $0x1FC0  }
.Ltmp0:
0x34: {  	_ = 	snop;
	(pc) =	sbr.rel @p0 .LBB2_2-.Ltmp0, $3  }
0x35: {  	_ =	sdelay $0x1  }
0x36: {  	s25 =	sshra.s32 s24, $0x2  }
0x37: {  	s24 =	sadd.s32 $0x40, s24;
	[tilespmem:s25+$0x17440] =	vst v0  }
0x38: {  	s24 =	simm.s32 $0x40;
	s25 =	simm.s32 $0x0  }
.LBB2_4:
0x39: {  	p0 =	sne.s32 s24, $0x9DC0;
	[tilespmem:s25+$0x17C40] =	vst v1;
	s25 =	smov.u32 s24;
	s24 =	sadd.s32 $0x40, s24  }
.Ltmp1:
0x3a: {  	(pc) =	sbr.rel @p0 .LBB2_4-.Ltmp1, $2  }
0x3b: {  	_ =	sdelay $0x2  }
0x3c: {  	s25 =	sshra.s32 s25, $0x2  }
0x3d: {  	[tilespmem:s25+$0x17C40] =	vst v1  }
0x3e: {  	[spmem:s5] =	stream.linear.scatter [tilespmem:s14], [sflag:$0x3], $0x2780, $0x38;
	[tilespmem:$0x1F2C0] =	vst v63  }
0x3f: {  	_ =	swait.ge [sflag:s15], $0x2780  }
0x40: {  	[sflag:s15] =	ssyncset.done $0x0  }
0x41: {  	[sflag:s15] =	ssyncadd.s32 $0xFFFFD880  }
0x42: {  	[spmem:s6] =	stream.linear.scatter [tilespmem:s14], [sflag:$0x3], $0x2780, $0x38;
	[tilespmem:$0x1F2C0] =	vst v63  }
0x43: {  	_ =	swait.ge [sflag:s15], $0x2780  }
0x44: {  	[sflag:s15] =	ssyncset.done $0x0  }
0x45: {  	s24 =	simm.s32 $0x0;
	[sflag:s15] =	ssyncadd.s32 $0xFFFFD880  }
0x46: {  	[tilespmem:s24], [sflag:$0x3] =	stream.strided.gather [hbm4b:s7+s16], $0x1400, s17, s16, $0x38;
	[tilespmem:$0x1F2C0] =	vst v63  }
0x47: {  	_ =	swait.ge [sflag:s15], $0x1400  }
0x48: {  	s25 =	simm.s32 $0x10;
	s28 =	sadd.s32 $0x0, s8;
	[sflag:s15] =	ssyncset.done $0x0  }
0x49: {  	s26 =	simm.s32 $0x1488;
	s24 =	simm.s32 $0x1400;
	[sflag:s15] =	ssyncadd.s32 $0xFFFFEC00  }
.LBB2_6:
0x4a: {  	[tilespmem:s24], [sflag:$0x3] =	stream.linear.gather [hbm4b:s28+s4], $0x80, $0x38;
	[tilespmem:$0x1F2C0] =	vst v63  }
0x4b: {  	s28 =	smov.u32 s25;
	s24 =	smov.u32 s26;
	p0 =	sne.s32 s25, $0x13F0  }
.Ltmp2:
0x4c: {  	s25 =	sadd.s32 $0x10, s25;
	(pc) =	sbr.rel @p0 .LBB2_6-.Ltmp2, $2  }
0x4d: {  	_ =	sdelay $0x2  }
0x4e: {  	s26 =	sadd.s32 $0x88, s26;
	s28 =	sadd.s32 s28, s8  }
0x4f: {  	[tilespmem:s24], [sflag:$0x3] =	stream.linear.gather [hbm4b:s28+s4], $0x80, $0x38;
	[tilespmem:$0x1F2C0] =	vst v63  }
0x50: {  	_ =	swait.ge [sflag:s15], $0xA000  }
0x51: {  	s24 =	simm.s32 $0xC240;
	s25 =	simm.s32 $0x10;
	[sflag:s15] =	ssyncset.done $0x0  }
0x52: {  	s28 =	sadd.s32 $0x0, s10;
	s26 =	simm.s32 $0xC2C8;
	[sflag:s15] =	ssyncadd.s32 $0xFFFF6000  }
.LBB2_8:
0x53: {  	[tilespmem:s24], [sflag:$0x3] =	stream.linear.gather [hbm4b:s28+s4], $0x80, $0x38;
	[tilespmem:$0x1F2C0] =	vst v63  }
0x54: {  	s28 =	smov.u32 s25;
	s24 =	smov.u32 s26;
	p0 =	sne.s32 s25, $0x13F0  }
.Ltmp3:
0x55: {  	s25 =	sadd.s32 $0x10, s25;
	(pc) =	sbr.rel @p0 .LBB2_8-.Ltmp3, $2  }
0x56: {  	_ =	sdelay $0x2  }
0x57: {  	s26 =	sadd.s32 $0x88, s26;
	s28 =	sadd.s32 s28, s10  }
0x58: {  	[tilespmem:s24], [sflag:$0x3] =	stream.linear.gather [hbm4b:s28+s4], $0x80, $0x38;
	[tilespmem:$0x1F2C0] =	vst v63  }
0x59: {  	_ =	swait.ge [sflag:s15], $0xA000  }
0x5a: {  	[sflag:s15] =	ssyncset.done $0x0  }
0x5b: {  	[sflag:s15] =	ssyncadd.s32 $0xFFFF6000  }
0x5c: {  	s24 =	simm.s32 $0x0;
	s25 =	simm.s32 $0x0;
	[bflag:$0x0] =	sbarrier.arrive $0xFFFF  }
.LBB2_10:
0x5d: {  	s26 =	sshll.u32 s25, $0x3  }
0x5e: {  	v12 =	vmov s24;
	v11 =	vmov s26  }
0x5f: {  	v12 =	vshrl.u32 v12, $0x3;
	v11 =	vmul.u32 $0x88, v11  }
0x60: {  	v12 =	vshll.u32 v12, v2  }
0x61: {  	v12 =	vadd.s32 v11, v12  }
0x62: {  	v12 =	vbroadcast v12, $0x0  }
0x63: {  	s30 =	simm.s32 $0x1  }
0x64: {  	v13 =	vmov s30;
	v12 =	vadd.s32 v3, v12  }
0x65: {  	v13 =	vshrl.u32 v13, $0x3  }
0x66: {  	v13 =	vshll.u32 v13, v2  }
0x67: {  	v13 =	vadd.s32 v11, v13  }
0x68: {  	v13 =	vbroadcast v13, $0x0  }
0x69: {  	s31 =	simm.s32 $0x2;
	v12 =	vld.idx.msk [tilespmem:v12+s18+$0x0], $0xffff  }
0x6a: {  	v14 =	vmov s31;
	v13 =	vadd.s32 v4, v13  }
0x6b: {  	v14 =	vshrl.u32 v14, $0x3  }
0x6c: {  	v14 =	vshll.u32 v14, v2  }
0x6d: {  	s26 =	simm.s32 $0x16C80;
	v14 =	vadd.s32 v11, v14  }
0x6e: {  	[tilespmem:s26+$0xFFFFFFC0] =	vst v12;
	v12 =	vbroadcast v14, $0x0  }
0x6f: {  	s28 =	simm.s32 $0x3;
	v13 =	vld.idx.msk [tilespmem:v13+s18+$0x0], $0xffff  }
0x70: {  	v14 =	vmov s28;
	v12 =	vadd.s32 v5, v12  }
0x71: {  	v14 =	vshrl.u32 v14, $0x3  }
0x72: {  	v14 =	vshll.u32 v14, v2  }
0x73: {  	v14 =	vadd.s32 v11, v14  }
0x74: {  	[tilespmem:s26+$0xFFFFFFD0] =	vst v13;
	v13 =	vbroadcast v14, $0x0  }
0x75: {  	s28 =	simm.s32 $0x4;
	v12 =	vld.idx.msk [tilespmem:v12+s18+$0x0], $0xffff  }
0x76: {  	v14 =	vmov s28;
	v13 =	vadd.s32 v6, v13  }
0x77: {  	v14 =	vshrl.u32 v14, $0x3  }
0x78: {  	v14 =	vshll.u32 v14, v2  }
0x79: {  	v14 =	vadd.s32 v11, v14  }
0x7a: {  	[tilespmem:s26+$0xFFFFFFE0] =	vst v12;
	v12 =	vbroadcast v14, $0x0  }
0x7b: {  	s28 =	simm.s32 $0x5;
	v13 =	vld.idx.msk [tilespmem:v13+s18+$0x0], $0xffff  }
0x7c: {  	v14 =	vmov s28;
	v12 =	vadd.s32 v7, v12  }
0x7d: {  	v14 =	vshrl.u32 v14, $0x3  }
0x7e: {  	v14 =	vshll.u32 v14, v2  }
0x7f: {  	v14 =	vadd.s32 v11, v14  }
0x80: {  	[tilespmem:s26+$0xFFFFFFF0] =	vst v13;
	v13 =	vbroadcast v14, $0x0  }
0x81: {  	s28 =	simm.s32 $0x6;
	v12 =	vld.idx.msk [tilespmem:v12+s18+$0x0], $0xffff  }
0x82: {  	v14 =	vmov s28;
	v13 =	vadd.s32 v8, v13  }
0x83: {  	v14 =	vshrl.u32 v14, $0x3  }
0x84: {  	v14 =	vshll.u32 v14, v2  }
0x85: {  	v14 =	vadd.s32 v11, v14  }
0x86: {  	[tilespmem:s26+$0x0] =	vst v12;
	v12 =	vbroadcast v14, $0x0  }
0x87: {  	s28 =	simm.s32 $0x7;
	v13 =	vld.idx.msk [tilespmem:v13+s18+$0x0], $0xffff  }
0x88: {  	v14 =	vmov s28;
	v12 =	vadd.s32 v9, v12  }
0x89: {  	v14 =	vshrl.u32 v14, $0x3  }
0x8a: {  	v14 =	vshll.u32 v14, v2  }
0x8b: {  	v14 =	vadd.s32 v11, v14  }
0x8c: {  	v14 =	vbroadcast v14, $0x0;
	[tilespmem:s26+$0x10] =	vst v13  }
0x8d: {  	v12 =	vld.idx.msk [tilespmem:v12+s18+$0x0], $0xffff  }
0x8e: {  	s28 =	simm.s32 $0x8;
	v13 =	vadd.s32 v10, v14  }
0x8f: {  	s29 =	simm.s32 $0x10;
	v14 =	vmov s28  }
.LBB2_11:
0x90: {  	p0 =	slt.u32 s29, $0x78;
	v14 =	vshrl.u32 v14, $0x3  }
0x91: {  	v14 =	vshll.u32 v14, v2  }
0x92: {  	v14 =	vadd.s32 v11, v14;
	[tilespmem:s26+$0x20] =	vst v12  }
0x93: {  	v12 =	vbroadcast v14, $0x0;
	v13 =	vld.idx.msk [tilespmem:v13+s18+$0x0], $0xffff;
	_ =	sdelay $0x1  }
0x94: {  	s30 =	sadd.s32 $0x1, s28;
	v12 =	vadd.s32 v3, v12  }
0x95: {  	v14 =	vmov s30  }
0x96: {  	v14 =	vshrl.u32 v14, $0x3  }
0x97: {  	v14 =	vshll.u32 v14, v2  }
0x98: {  	v14 =	vadd.s32 v11, v14;
	[tilespmem:s26+$0x30] =	vst v13  }
0x99: {  	v13 =	vbroadcast v14, $0x0;
	v12 =	vld.idx.msk [tilespmem:v12+s18+$0x0], $0xffff;
	_ =	sdelay $0x1  }
0x9a: {  	s30 =	sadd.s32 $0x2, s28;
	v13 =	vadd.s32 v4, v13  }
0x9b: {  	v14 =	vmov s30  }
0x9c: {  	v14 =	vshrl.u32 v14, $0x3  }
0x9d: {  	s26 =	sadd.s32 $0x80, s26;
	v14 =	vshll.u32 v14, v2  }
0x9e: {  	[tilespmem:s26+$0xFFFFFFC0] =	vst v12;
	v12 =	vadd.s32 v11, v14  }
0x9f: {  	v13 =	vld.idx.msk [tilespmem:v13+s18+$0x0], $0xffff;
	v12 =	vbroadcast v12, $0x0;
	_ =	sdelay $0x1  }
0xa0: {  	s30 =	sadd.s32 $0x3, s28;
	v12 =	vadd.s32 v5, v12  }
0xa1: {  	v14 =	vmov s30  }
0xa2: {  	v14 =	vshrl.u32 v14, $0x3  }
0xa3: {  	v14 =	vshll.u32 v14, v2  }
0xa4: {  	[tilespmem:s26+$0xFFFFFFD0] =	vst v13;
	v13 =	vadd.s32 v11, v14  }
0xa5: {  	v12 =	vld.idx.msk [tilespmem:v12+s18+$0x0], $0xffff;
	v13 =	vbroadcast v13, $0x0;
	_ =	sdelay $0x1  }
0xa6: {  	s30 =	sadd.s32 $0x4, s28;
	v13 =	vadd.s32 v6, v13  }
0xa7: {  	v14 =	vmov s30  }
0xa8: {  	v14 =	vshrl.u32 v14, $0x3  }
0xa9: {  	v14 =	vshll.u32 v14, v2  }
0xaa: {  	[tilespmem:s26+$0xFFFFFFE0] =	vst v12;
	v12 =	vadd.s32 v11, v14  }
0xab: {  	v13 =	vld.idx.msk [tilespmem:v13+s18+$0x0], $0xffff;
	v12 =	vbroadcast v12, $0x0;
	_ =	sdelay $0x1  }
0xac: {  	s30 =	sadd.s32 $0x5, s28;
	v12 =	vadd.s32 v7, v12  }
0xad: {  	v14 =	vmov s30  }
0xae: {  	v14 =	vshrl.u32 v14, $0x3  }
0xaf: {  	v14 =	vshll.u32 v14, v2  }
0xb0: {  	[tilespmem:s26+$0xFFFFFFF0] =	vst v13;
	v13 =	vadd.s32 v11, v14  }
0xb1: {  	v12 =	vld.idx.msk [tilespmem:v12+s18+$0x0], $0xffff;
	v13 =	vbroadcast v13, $0x0;
	_ =	sdelay $0x1  }
0xb2: {  	s30 =	sadd.s32 $0x6, s28;
	v13 =	vadd.s32 v8, v13  }
0xb3: {  	v14 =	vmov s30  }
0xb4: {  	v14 =	vshrl.u32 v14, $0x3  }
0xb5: {  	v14 =	vshll.u32 v14, v2  }
0xb6: {  	[tilespmem:s26+$0x0] =	vst v12;
	v12 =	vadd.s32 v11, v14  }
0xb7: {  	v13 =	vld.idx.msk [tilespmem:v13+s18+$0x0], $0xffff;
	v12 =	vbroadcast v12, $0x0;
	_ =	sdelay $0x1  }
0xb8: {  	s30 =	sadd.s32 $0x7, s28;
	s28 =	smov.u32 s29;
	v12 =	vadd.s32 v9, v12  }
0xb9: {  	v14 =	vmov s30  }
0xba: {  	v14 =	vshrl.u32 v14, $0x3  }
0xbb: {  	v14 =	vshll.u32 v14, v2  }
.Ltmp4:
0xbc: {  	[tilespmem:s26+$0x10] =	vst v13;
	v13 =	vadd.s32 v11, v14;
	(pc) =	sbr.rel @p0 .LBB2_11-.Ltmp4, $3  }
0xbd: {  	v12 =	vld.idx.msk [tilespmem:v12+s18+$0x0], $0xffff;
	v13 =	vbroadcast v13, $0x0;
	_ =	sdelay $0x1  }
0xbe: {  	v13 =	vadd.s32 v10, v13  }
0xbf: {  	s29 =	sadd.s32 $0x8, s29;
	v14 =	vmov s28  }
0xc0: {  	v14 =	vshrl.u32 v14, $0x3  }
0xc1: {  	v14 =	vshll.u32 v14, v2  }
0xc2: {  	v14 =	vadd.s32 v11, v14  }
0xc3: {  	[tilespmem:s26+$0x20] =	vst v12;
	v50 =	vbroadcast v14, $0x0  }
0xc4: {  	s29 =	sadd.s32 $0x1, s28;
	v13 =	vld.idx.msk [tilespmem:v13+s18+$0x0], $0xffff  }
0xc5: {  	v51 =	vmov s29;
	v12 =	vadd.s32 v3, v50  }
0xc6: {  	v14 =	vshrl.u32 v51, $0x3  }
0xc7: {  	v14 =	vshll.u32 v14, v2  }
0xc8: {  	v14 =	vadd.s32 v11, v14  }
0xc9: {  	v52 =	vbroadcast v14, $0x0;
	[tilespmem:s26+$0x30] =	vst v13  }
0xca: {  	s31 =	sadd.s32 $0x2, s28;
	v12 =	vld.idx.msk [tilespmem:v12+s18+$0x0], $0xffff  }
0xcb: {  	v53 =	vmov s31;
	v13 =	vadd.s32 v4, v52  }
0xcc: {  	v14 =	vshrl.u32 v53, $0x3  }
0xcd: {  	v14 =	vshll.u32 v14, v2  }
0xce: {  	s26 =	sadd.s32 $0x80, s26;
	v14 =	vadd.s32 v11, v14  }
0xcf: {  	v54 =	vbroadcast v14, $0x0;
	[tilespmem:s26+$0xFFFFFFC0] =	vst v12  }
0xd0: {  	s30 =	sadd.s32 $0x3, s28;
	v13 =	vld.idx.msk [tilespmem:v13+s18+$0x0], $0xffff  }
0xd1: {  	v55 =	vmov s30;
	v12 =	vadd.s32 v5, v54  }
0xd2: {  	v14 =	vshrl.u32 v55, $0x3  }
0xd3: {  	v14 =	vshll.u32 v14, v2  }
0xd4: {  	v14 =	vadd.s32 v11, v14  }
0xd5: {  	v56 =	vbroadcast v14, $0x0;
	[tilespmem:s26+$0xFFFFFFD0] =	vst v13  }
0xd6: {  	s31 =	sadd.s32 $0x4, s28;
	v12 =	vld.idx.msk [tilespmem:v12+s18+$0x0], $0xffff  }
0xd7: {  	v57 =	vmov s31;
	v13 =	vadd.s32 v6, v56  }
0xd8: {  	v14 =	vshrl.u32 v57, $0x3  }
0xd9: {  	v14 =	vshll.u32 v14, v2  }
0xda: {  	v14 =	vadd.s32 v11, v14  }
0xdb: {  	v58 =	vbroadcast v14, $0x0;
	[tilespmem:s26+$0xFFFFFFE0] =	vst v12  }
0xdc: {  	s30 =	sadd.s32 $0x5, s28;
	v13 =	vld.idx.msk [tilespmem:v13+s18+$0x0], $0xffff  }
0xdd: {  	v59 =	vmov s30;
	v12 =	vadd.s32 v7, v58  }
0xde: {  	v14 =	vshrl.u32 v59, $0x3  }
0xdf: {  	v14 =	vshll.u32 v14, v2  }
0xe0: {  	v14 =	vadd.s32 v11, v14  }
0xe1: {  	v60 =	vbroadcast v14, $0x0;
	[tilespmem:s26+$0xFFFFFFF0] =	vst v13  }
0xe2: {  	s31 =	sadd.s32 $0x6, s28;
	v12 =	vld.idx.msk [tilespmem:v12+s18+$0x0], $0xffff  }
0xe3: {  	v61 =	vmov s31;
	v13 =	vadd.s32 v8, v60  }
0xe4: {  	v14 =	vshrl.u32 v61, $0x3  }
0xe5: {  	v14 =	vshll.u32 v14, v2  }
0xe6: {  	v14 =	vadd.s32 v11, v14  }
0xe7: {  	v62 =	vbroadcast v14, $0x0;
	[tilespmem:s26+$0x0] =	vst v12  }
0xe8: {  	s29 =	sadd.s32 $0x7, s28;
	v13 =	vld.idx.msk [tilespmem:v13+s18+$0x0], $0xffff  }
0xe9: {  	v63 =	vmov s29;
	v12 =	vadd.s32 v9, v62  }
0xea: {  	v14 =	vshrl.u32 v63, $0x3  }
0xeb: {  	v14 =	vshll.u32 v14, v2  }
0xec: {  	v11 =	vadd.s32 v11, v14  }
0xed: {  	v11 =	vbroadcast v11, $0x0;
	[tilespmem:s26+$0x10] =	vst v13  }
0xee: {  	v12 =	vld.idx.msk [tilespmem:v12+s18+$0x0], $0xffff  }
0xef: {  	v11 =	vadd.s32 v10, v11;
	_ =	sdelay $0x3  }
0xf0: {  	[tilespmem:s26+$0x20] =	vst v12  }
0xf1: {  	v11 =	vld.idx.msk [tilespmem:v11+s18+$0x0], $0xffff;
	_ =	sdelay $0x3  }
0xf2: {  	s30 =	sshll.u32 s25, $0x9  }
0xf3: {  	s31 =	sshra.s32 s30, $0x2;
	[tilespmem:s26+$0x30] =	vst v11  }
0xf4: {  	[spmem:s1] =	stream.indirect.scatter.add.f32 [tilespmem:s19], [sflag:$0x1], $0x10, s31, s16, $0xb8;
	[tilespmem:$0x1F2C0] =	vst v63  }
0xf5: {  	s25 =	sadd.s32 $0x1, s25  }
0xf6: {  	[spmem:s3] =	stream.indirect.scatter.add.f32 [tilespmem:s20], [sflag:$0x2], $0x10, s31, s16, $0xb8;
	[tilespmem:$0x1F2C0] =	vst v63  }
0xf7: {  	p0 =	sne.s32 s25, s9;
	_ =	swait.ge [sflag:s21], $0x800  }
.Ltmp5:
0xf8: {  	[sflag:s21] =	ssyncset.done $0x0;
	(pc) =	sbr.rel @p0 .LBB2_10-.Ltmp5, $4  }
0xf9: {  	[sflag:s21] =	ssyncadd.s32 $0xFFFFF800  }
0xfa: {  	_ =	swait.ge [sflag:s22], $0x800  }
0xfb: {  	[sflag:s22] =	ssyncset.done $0x0  }
0xfc: {  	[sflag:s22] =	ssyncadd.s32 $0xFFFFF800  }
0xfd: {  	s24 =	sshll.u32 s0, $0x6  }
0xfe: {  	[bflag:$0x0] =	sbarrier.arrive $0xFFFF;
	s25 =	sshrl.u32 s5, $0x3;
	s24 =	sor.u32 $0x1C03, s24  }
0xff: {  	[hbm:s11], [sflag:s24] =	dma.local [spmem:s25], $0x4F0  }
0x100: {  	s23 =	sadd.s32 $0x1, s23;
	_ =	swait.ge [sflag:s15], $0x4F0  }
0x101: {  	p0 =	sne.s32 s23, s13;
	[sflag:s15] =	ssyncset.done $0x0  }
.Ltmp6:
0x102: {  	s31 =	sshrl.u32 s6, $0x3;
	[sflag:s15] =	ssyncadd.s32 $0xFFFFFB10;
	(pc) =	sbr.rel @p0 .LBB2_1-.Ltmp6, $4  }
0x103: {  	[hbm:s12], [sflag:s24] =	dma.local [spmem:s31], $0x4F0  }
0x104: {  	_ =	swait.ge [sflag:s15], $0x4F0  }
0x105: {  	[sflag:s15] =	ssyncset.done $0x0  }
0x106: {  	[sflag:s15] =	ssyncadd.s32 $0xFFFFFB10  }
0x107: {  	_ =	sfence.sel $0x180000  }
0x108: {  	[bflag:$0x0] =	sbarrier.arrive $0xFFFF  }
0x109: {  	p0 =	sne.s32 s0, $0x0;
	_ =	strace $0x90000047  }
0x10a: {  	s0 =	sadd.s32 @!p0 $0x100000, s2;
	[bflag:$0x2] =	sbarrier.arrive $0xFFFF  }
0x10b: {  	[sflag:s0] =	ssyncadd.tile.s32 @!p0 $0x1;
	_ =	shalt  }
.Lfunc_end2:
_tile_overlayer_lowered:
.L_overlay_start_2:
0x10c: {  	(tag) =	ssettag $0x2  }
0x10d: {  	s0 =	rddreg [dreg:$0x0];
	s2 =	stileid.u32  }
0x10e: {  	s1 =	rddreg [dreg:$0x1];
	p0 =	sne.s32 s2, $0x0  }
0x10f: {  	s3 =	rddreg [dreg:$0x2];
	[bflag:$0x3] =	sbarrier.arrive $0xFFFF;
	s2 =	simm.s32 @!p0 $0x1C03  }
0x110: {  	[timem:s3], [sflag:s2] =	dma.local @!p0 [hbm:s0], s1  }
0x111: {  	s0 =	simm.s32 @!p0 $0x3  }
0x112: {  	_ =	swait.ge @!p0 [sflag:s0], s1  }
0x113: {  	s1 =	ssub.s32 @!p0 $0x0, s1;
	[sflag:s0] =	ssyncset.done @!p0 $0x0  }
0x114: {  	[sflag:s0] =	ssyncadd.s32 @!p0 s1  }
0x115: {  	[bflag:$0x3] =	sbarrier.arrive $0xFFFF  }
0x116: {  	_ =	shalt  }

</sc_bundles>
